<compile_context>
chip_gen: v7x
topology: tpu7x:2x2x1
jax: 0.10.2.dev20260603
libtpu: 0.0.44.dev20260713+nightly
codegen_flags: <defaults>
</compile_context>

<pallas_src>
import jax
import jax.numpy as jnp
from jax import lax
from jax.experimental import pallas as pl
from jax.experimental.pallas import tpu as pltpu
from jax.experimental.pallas import tpu_sc as plsc

B, S, V, M, D = 4096, 200, 1000000, 200, 64
N = B * S
NC, NS, L = 2, 16, 16
NW = NC * NS
ROWS_PER_W = N // NW
CHUNK = 128
NCHUNK = ROWS_PER_W // CHUNK
NSEG = CHUNK // 128
DV = D // L


def _body(seq_hbm, pos_hbm, tok_hbm, ptab_hbm, w_hbm, b_hbm, out_hbm,
          idx0, idx1, pidx0, pidx1, tok0, tok1, pos0, pos1, ob0, ob1, posc, posc_sh,
          wv, bv,
          sgt0, sgt1, sgp0, sgp1, ss0, ss1, si0, si1):
    idxs, pidxs = [idx0, idx1], [pidx0, pidx1]
    toks, poss, obs = [tok0, tok1], [pos0, pos1], [ob0, ob1]
    sgt, sgp, ss, si = [sgt0, sgt1], [sgp0, sgp1], [ss0, ss1], [si0, si1]

    wid = lax.axis_index("s") * NC + lax.axis_index("c")
    base = wid * ROWS_PER_W

    pltpu.sync_copy(w_hbm, wv)
    pltpu.sync_copy(b_hbm, bv)
    w0 = [wv[pl.ds(j * L, L)] for j in range(DV)]
    w1 = [wv[pl.ds(D + j * L, L)] for j in range(DV)]
    bb = [bv[pl.ds(j * L, L)] for j in range(DV)]

    pltpu.sync_copy(ptab_hbm, posc)

    def posc_body(p, _):
        for j in range(DV):
            posc[p, pl.ds(j * L, L)] = posc[p, pl.ds(j * L, L)] * w1[j] + bb[j]
        return 0

    lax.fori_loop(0, M, posc_body, 0)

    @pl.when(lax.axis_index("s") == 0)
    def _():
        pltpu.sync_copy(posc, posc_sh)

    plsc.subcore_barrier()

    def fire_gathers(b):
        for k in range(NSEG):
            sl = pl.ds(k * 128, 128)
            pltpu.async_copy(tok_hbm.at[idxs[b].at[sl]], toks[b].at[sl], sgt[b])
            pltpu.async_copy(posc_sh.at[pidxs[b].at[sl]], poss[b].at[sl],
                             sgp[b])

    def wait_gathers(b):
        for k in range(NSEG):
            sl = pl.ds(k * 128, 128)
            pltpu.make_async_copy(tok_hbm.at[idxs[b].at[sl]], toks[b].at[sl],
                                  sgt[b]).wait()
            pltpu.make_async_copy(posc_sh.at[pidxs[b].at[sl]], poss[b].at[sl],
                                  sgp[b]).wait()

    def fire_idx(b, g):
        row0 = base + g * CHUNK
        pltpu.async_copy(seq_hbm.at[pl.ds(row0, CHUNK)], idxs[b], si[b])
        pltpu.async_copy(pos_hbm.at[pl.ds(row0, CHUNK)], pidxs[b], si[b])

    def wait_idx(b):
        pltpu.make_async_copy(seq_hbm.at[pl.ds(0, CHUNK)], idxs[b],
                              si[b]).wait()
        pltpu.make_async_copy(pos_hbm.at[pl.ds(0, CHUNK)], pidxs[b],
                              si[b]).wait()

    def fire_scatter(b, g):
        row0 = base + g * CHUNK
        pltpu.async_copy(obs[b], out_hbm.at[pl.ds(row0, CHUNK)], ss[b])

    def wait_scatter(b):
        pltpu.make_async_copy(obs[b], out_hbm.at[pl.ds(base, CHUNK)],
                              ss[b]).wait()

    def compute(b):
        def row_body(r, _):
            for j in range(DV):
                t = toks[b][r, pl.ds(j * L, L)]
                p = poss[b][r, pl.ds(j * L, L)]
                obs[b][r, pl.ds(j * L, L)] = t * w0[j] + p
            return 0
        lax.fori_loop(0, CHUNK, row_body, 0)

    for b in range(2):
        row0 = base + b * CHUNK
        pltpu.sync_copy(seq_hbm.at[pl.ds(row0, CHUNK)], idxs[b])
        pltpu.sync_copy(pos_hbm.at[pl.ds(row0, CHUNK)], pidxs[b])
        fire_gathers(b)

    def pair_body(gp, _):
        for b in range(2):
            g = gp * 2 + b
            wait_gathers(b)
            pref = g + 2 < NCHUNK

            @pl.when(pref)
            def _():
                fire_idx(b, g + 2)

            @pl.when(g >= 2)
            def _():
                wait_scatter(b)

            compute(b)
            fire_scatter(b, g)

            @pl.when(pref)
            def _():
                wait_idx(b)
                fire_gathers(b)
        return 0

    lax.fori_loop(0, NCHUNK // 2, pair_body, 0)
    for b in range(2):
        wait_scatter(b)


@jax.jit
def _run(seq_flat, pos_flat, token_table, pos_table, w_flat, bias):
    mesh = plsc.VectorSubcoreMesh(core_axis_name="c", subcore_axis_name="s")
    out = pl.kernel(
        _body,
        out_type=jax.ShapeDtypeStruct((N, D), jnp.float32),
        mesh=mesh,
        compiler_params=pltpu.CompilerParams(use_tc_tiling_on_sc=False),
        scratch_types=[
            pltpu.VMEM((CHUNK,), jnp.int32),
            pltpu.VMEM((CHUNK,), jnp.int32),
            pltpu.VMEM((CHUNK,), jnp.int32),
            pltpu.VMEM((CHUNK,), jnp.int32),
            pltpu.VMEM((CHUNK, 2 * D), jnp.float32),
            pltpu.VMEM((CHUNK, 2 * D), jnp.float32),
            pltpu.VMEM((CHUNK, D), jnp.float32),
            pltpu.VMEM((CHUNK, D), jnp.float32),
            pltpu.VMEM((CHUNK, D), jnp.float32),
            pltpu.VMEM((CHUNK, D), jnp.float32),
            pltpu.VMEM((M, D), jnp.float32),
            pltpu.VMEM_SHARED((M, D), jnp.float32),
            pltpu.VMEM((2 * D,), jnp.float32),
            pltpu.VMEM((D,), jnp.float32),
            pltpu.SemaphoreType.DMA,
            pltpu.SemaphoreType.DMA,
            pltpu.SemaphoreType.DMA,
            pltpu.SemaphoreType.DMA,
            pltpu.SemaphoreType.DMA,
            pltpu.SemaphoreType.DMA,
            pltpu.SemaphoreType.DMA,
            pltpu.SemaphoreType.DMA,
        ],
    )(seq_flat, pos_flat, token_table, pos_table, w_flat, bias)
    return out


def kernel(sequence, position_ids, token_table, pos_table, embedding_weights,
           embedding_bias):
    seq_flat = sequence.reshape(N).astype(jnp.int32)
    pos_flat = position_ids.reshape(N).astype(jnp.int32)
    w_flat = embedding_weights.reshape(2 * D).astype(jnp.float32)
    tok_padded = jnp.pad(token_table, ((0, 0), (0, D)))
    out = _run(seq_flat, pos_flat, tok_padded, pos_table, w_flat,
               embedding_bias)
    return out.reshape(B, S, D)

# --- scband reference (transcript-rebuilt; emitter-appended) ---
"""Pipeline reference for scband-bert-embedding-aew-68315749810261 (READ-ONLY COPY).

The authoritative reference and input builder live on the scoring server;
editing this copy changes nothing except your own understanding.
"""

import jax, jax.numpy as jnp
import numpy as np

B, S, V, M, D = 4096, 200, 1000000, 200, 64

def setup_inputs(seed: int = 0) -> dict:
    key = jax.random.key(seed)
    k0, k1, k2, k3, k4 = jax.random.split(key, 5)
    sequence = jax.random.randint(k0, (B, S), 0, V)
    position_ids = jax.random.randint(k1, (B, S), 0, M)
    token_table = jax.random.normal(k2, (V, D), dtype=jnp.float32) * 0.02
    token_table = token_table.at[0].set(0.0)  # padding_idx=0
    pos_table = jax.random.normal(k3, (M, D), dtype=jnp.float32) * 0.02
    pos_table = pos_table.at[0].set(0.0)  # padding_idx=0
    embedding_weights = jax.random.normal(k4, (2, D), dtype=jnp.float32) * 0.02
    embedding_bias = jnp.zeros((D,), dtype=jnp.float32)
    return {
        "sequence": sequence,
        "position_ids": position_ids,
        "token_table": token_table,
        "pos_table": pos_table,
        "embedding_weights": embedding_weights,
        "embedding_bias": embedding_bias,
    }

def reference(sequence, position_ids, token_table, pos_table, embedding_weights, embedding_bias):
    token_emb = jnp.take(token_table, sequence, axis=0)[:, :, None, :]  # [B,S,1,D]
    pos_emb = jnp.take(pos_table, position_ids, axis=0)[:, :, None, :]  # [B,S,1,D]
    embeddings_concat = jnp.concatenate((token_emb, pos_emb), axis=2)   # [B,S,2,D]
    x = jnp.einsum('bsed,ed->bsd', embeddings_concat, embedding_weights)
    x = x + embedding_bias
    # dropout is identity in eval mode
    return x

if __name__ == "__main__":
    import jax
    _d = setup_inputs()
    print(jax.jit(kernel)(*tuple(_d.values())))

</pallas_src>

<mosaic_0001>
#map = affine_map<(d0, d1) -> (0)>
#map1 = affine_map<(d0, d1) -> (0, 0)>
module attributes {stable_mosaic.version = 14 : i64} {
  func.func @_body(%arg0: i32, %arg1: i32, %arg2: memref<819200xi32, #tpu.memory_space<hbm>>, %arg3: memref<819200xi32, #tpu.memory_space<hbm>>, %arg4: memref<1000000x128xf32, #tpu.memory_space<hbm>>, %arg5: memref<200x64xf32, #tpu.memory_space<hbm>>, %arg6: memref<128xf32, #tpu.memory_space<hbm>>, %arg7: memref<64xf32, #tpu.memory_space<hbm>>, %arg8: memref<819200x64xf32, #tpu.memory_space<hbm>>, %arg9: memref<128xi32, #tpu.memory_space<vmem>>, %arg10: memref<128xi32, #tpu.memory_space<vmem>>, %arg11: memref<128xi32, #tpu.memory_space<vmem>>, %arg12: memref<128xi32, #tpu.memory_space<vmem>>, %arg13: memref<128x128xf32, #tpu.memory_space<vmem>>, %arg14: memref<128x128xf32, #tpu.memory_space<vmem>>, %arg15: memref<128x64xf32, #tpu.memory_space<vmem>>, %arg16: memref<128x64xf32, #tpu.memory_space<vmem>>, %arg17: memref<128x64xf32, #tpu.memory_space<vmem>>, %arg18: memref<128x64xf32, #tpu.memory_space<vmem>>, %arg19: memref<200x64xf32, #tpu.memory_space<vmem>>, %arg20: memref<200x64xf32, #tpu.memory_space<vmem_shared>>, %arg21: memref<128xf32, #tpu.memory_space<vmem>>, %arg22: memref<64xf32, #tpu.memory_space<vmem>>, %arg23: memref<!tpu.dma_semaphore, #tpu.memory_space<semaphore_mem>>, %arg24: memref<!tpu.dma_semaphore, #tpu.memory_space<semaphore_mem>>, %arg25: memref<!tpu.dma_semaphore, #tpu.memory_space<semaphore_mem>>, %arg26: memref<!tpu.dma_semaphore, #tpu.memory_space<semaphore_mem>>, %arg27: memref<!tpu.dma_semaphore, #tpu.memory_space<semaphore_mem>>, %arg28: memref<!tpu.dma_semaphore, #tpu.memory_space<semaphore_mem>>, %arg29: memref<!tpu.dma_semaphore, #tpu.memory_space<semaphore_mem>>, %arg30: memref<!tpu.dma_semaphore, #tpu.memory_space<semaphore_mem>>) attributes {dimension_semantics = [#tpu.dimension_semantics<core_parallel>, #tpu.dimension_semantics<subcore_parallel>], iteration_bounds = array<i64: 2, 16>, scalar_prefetch = 0 : i64, scratch_operands = 22 : i64, tpu.core_type = #tpu.core_type<sc_vector_subcore>, window_params = [{transform_indices = #map}, {transform_indices = #map}, {transform_indices = #map1}, {transform_indices = #map1}, {transform_indices = #map}, {transform_indices = #map}, {transform_indices = #map1}]} {
    %mul3A = arith.constant 2 : i32
    %mul3A_0 = arith.muli %arg1, %mul3A : i32
    %add3A = arith.addi %mul3A_0, %arg0 : i32
    %mul3A_1 = arith.constant 25600 : i32
    %mul3A_2 = arith.muli %add3A, %mul3A_1 : i32
    "tpu.region"() ({
      %run_scoped3A = tpu.sem_alloc : memref<!tpu.dma_semaphore, #tpu.memory_space<semaphore_mem>>
      tpu.enqueue_dma source(%arg6 : memref<128xf32, #tpu.memory_space<hbm>>) target(%arg21 : memref<128xf32, #tpu.memory_space<vmem>>) target_semaphore(%run_scoped3A : memref<!tpu.dma_semaphore, #tpu.memory_space<semaphore_mem>>)
      tpu.wait_dma2 semaphore(%run_scoped3A : memref<!tpu.dma_semaphore, #tpu.memory_space<semaphore_mem>>) src(%arg6 : memref<128xf32, #tpu.memory_space<hbm>>) dst(%arg21 : memref<128xf32, #tpu.memory_space<vmem>>)
      tpu.yield
    }) : () -> ()
    "tpu.region"() ({
      %run_scoped3A = tpu.sem_alloc : memref<!tpu.dma_semaphore, #tpu.memory_space<semaphore_mem>>
      tpu.enqueue_dma source(%arg7 : memref<64xf32, #tpu.memory_space<hbm>>) target(%arg22 : memref<64xf32, #tpu.memory_space<vmem>>) target_semaphore(%run_scoped3A : memref<!tpu.dma_semaphore, #tpu.memory_space<semaphore_mem>>)
      tpu.wait_dma2 semaphore(%run_scoped3A : memref<!tpu.dma_semaphore, #tpu.memory_space<semaphore_mem>>) src(%arg7 : memref<64xf32, #tpu.memory_space<hbm>>) dst(%arg22 : memref<64xf32, #tpu.memory_space<vmem>>)
      tpu.yield
    }) : () -> ()
    %get3A = arith.constant 0 : index
    %get3A_3 = tpu.vector_load %arg21[%get3A] {strides = array<i32>} : memref<128xf32, #tpu.memory_space<vmem>>, vector<16xf32>,
    %get3A_4 = vector.shape_cast %get3A_3 : vector<16xf32> to vector<16xf32>
    %get3A_5 = arith.constant 16 : index
    %get3A_6 = tpu.vector_load %arg21[%get3A_5] {strides = array<i32>} : memref<128xf32, #tpu.memory_space<vmem>>, vector<16xf32>,
    %get3A_7 = vector.shape_cast %get3A_6 : vector<16xf32> to vector<16xf32>
    %get3A_8 = arith.constant 32 : index
    %get3A_9 = tpu.vector_load %arg21[%get3A_8] {strides = array<i32>} : memref<128xf32, #tpu.memory_space<vmem>>, vector<16xf32>,
    %get3A_10 = vector.shape_cast %get3A_9 : vector<16xf32> to vector<16xf32>
    %get3A_11 = arith.constant 48 : index
    %get3A_12 = tpu.vector_load %arg21[%get3A_11] {strides = array<i32>} : memref<128xf32, #tpu.memory_space<vmem>>, vector<16xf32>,
    %get3A_13 = vector.shape_cast %get3A_12 : vector<16xf32> to vector<16xf32>
    %get3A_14 = arith.constant 64 : index
    %get3A_15 = tpu.vector_load %arg21[%get3A_14] {strides = array<i32>} : memref<128xf32, #tpu.memory_space<vmem>>, vector<16xf32>,
    %get3A_16 = vector.shape_cast %get3A_15 : vector<16xf32> to vector<16xf32>
    %get3A_17 = arith.constant 80 : index
    %get3A_18 = tpu.vector_load %arg21[%get3A_17] {strides = array<i32>} : memref<128xf32, #tpu.memory_space<vmem>>, vector<16xf32>,
    %get3A_19 = vector.shape_cast %get3A_18 : vector<16xf32> to vector<16xf32>
    %get3A_20 = arith.constant 96 : index
    %get3A_21 = tpu.vector_load %arg21[%get3A_20] {strides = array<i32>} : memref<128xf32, #tpu.memory_space<vmem>>, vector<16xf32>,
    %get3A_22 = vector.shape_cast %get3A_21 : vector<16xf32> to vector<16xf32>
    %get3A_23 = arith.constant 112 : index
    %get3A_24 = tpu.vector_load %arg21[%get3A_23] {strides = array<i32>} : memref<128xf32, #tpu.memory_space<vmem>>, vector<16xf32>,
    %get3A_25 = vector.shape_cast %get3A_24 : vector<16xf32> to vector<16xf32>
    %get3A_26 = arith.constant 0 : index
    %get3A_27 = tpu.vector_load %arg22[%get3A_26] {strides = array<i32>} : memref<64xf32, #tpu.memory_space<vmem>>, vector<16xf32>,
    %get3A_28 = vector.shape_cast %get3A_27 : vector<16xf32> to vector<16xf32>
    %get3A_29 = arith.constant 16 : index
    %get3A_30 = tpu.vector_load %arg22[%get3A_29] {strides = array<i32>} : memref<64xf32, #tpu.memory_space<vmem>>, vector<16xf32>,
    %get3A_31 = vector.shape_cast %get3A_30 : vector<16xf32> to vector<16xf32>
    %get3A_32 = arith.constant 32 : index
    %get3A_33 = tpu.vector_load %arg22[%get3A_32] {strides = array<i32>} : memref<64xf32, #tpu.memory_space<vmem>>, vector<16xf32>,
    %get3A_34 = vector.shape_cast %get3A_33 : vector<16xf32> to vector<16xf32>
    %get3A_35 = arith.constant 48 : index
    %get3A_36 = tpu.vector_load %arg22[%get3A_35] {strides = array<i32>} : memref<64xf32, #tpu.memory_space<vmem>>, vector<16xf32>,
    %get3A_37 = vector.shape_cast %get3A_36 : vector<16xf32> to vector<16xf32>
    "tpu.region"() ({
      %run_scoped3A = tpu.sem_alloc : memref<!tpu.dma_semaphore, #tpu.memory_space<semaphore_mem>>
      tpu.enqueue_dma source(%arg5 : memref<200x64xf32, #tpu.memory_space<hbm>>) target(%arg19 : memref<200x64xf32, #tpu.memory_space<vmem>>) target_semaphore(%run_scoped3A : memref<!tpu.dma_semaphore, #tpu.memory_space<semaphore_mem>>)
      tpu.wait_dma2 semaphore(%run_scoped3A : memref<!tpu.dma_semaphore, #tpu.memory_space<semaphore_mem>>) src(%arg5 : memref<200x64xf32, #tpu.memory_space<hbm>>) dst(%arg19 : memref<200x64xf32, #tpu.memory_space<vmem>>)
      tpu.yield
    }) : () -> ()
    %scan3A = arith.constant 0 : i32
    %scan3A_38 = arith.constant 0 : i32
    %scan3A_39 = arith.constant 200 : i32
    %scan3A_40 = arith.addi %scan3A_38, %scan3A_39 : i32
    %scan3A_41 = arith.constant 1 : i32
    %scan3A_42 = scf.for %scan3A_95 = %scan3A_38 to %scan3A_40 step %scan3A_41 iter_args(%scan3A_96 = %scan3A) -> (i32)  : i32 {
      %get3A_97 = arith.index_cast %scan3A_95 : i32 to index
      %get3A_98 = arith.constant 0 : index
      %get3A_99 = tpu.vector_load %arg19[%get3A_97, %get3A_98] {strides = array<i32>} : memref<200x64xf32, #tpu.memory_space<vmem>>, vector<1x16xf32>,
      %get3A_100 = vector.shape_cast %get3A_99 : vector<1x16xf32> to vector<16xf32>
      %mul3A_101 = arith.mulf %get3A_100, %get3A_16 : vector<16xf32>
      %add3A_102 = arith.addf %mul3A_101, %get3A_28 : vector<16xf32>
      %swap3A = arith.index_cast %scan3A_95 : i32 to index
      %swap3A_103 = arith.constant 0 : index
      %swap3A_104 = tpu.vector_load %arg19[%swap3A, %swap3A_103] {strides = array<i32>} : memref<200x64xf32, #tpu.memory_space<vmem>>, vector<1x16xf32>,
      %swap3A_105 = vector.shape_cast %swap3A_104 : vector<1x16xf32> to vector<16xf32>
      %swap3A_106 = vector.shape_cast %add3A_102 : vector<16xf32> to vector<1x16xf32>
      tpu.vector_store %arg19[%swap3A, %swap3A_103], %swap3A_106 {strides = array<i32>} : memref<200x64xf32, #tpu.memory_space<vmem>>, vector<1x16xf32>,
      %get3A_107 = arith.index_cast %scan3A_95 : i32 to index
      %get3A_108 = arith.constant 16 : index
      %get3A_109 = tpu.vector_load %arg19[%get3A_107, %get3A_108] {strides = array<i32>} : memref<200x64xf32, #tpu.memory_space<vmem>>, vector<1x16xf32>,
      %get3A_110 = vector.shape_cast %get3A_109 : vector<1x16xf32> to vector<16xf32>
      %mul3A_111 = arith.mulf %get3A_110, %get3A_19 : vector<16xf32>
      %add3A_112 = arith.addf %mul3A_111, %get3A_31 : vector<16xf32>
      %swap3A_113 = arith.index_cast %scan3A_95 : i32 to index
      %swap3A_114 = arith.constant 16 : index
      %swap3A_115 = tpu.vector_load %arg19[%swap3A_113, %swap3A_114] {strides = array<i32>} : memref<200x64xf32, #tpu.memory_space<vmem>>, vector<1x16xf32>,
      %swap3A_116 = vector.shape_cast %swap3A_115 : vector<1x16xf32> to vector<16xf32>
      %swap3A_117 = vector.shape_cast %add3A_112 : vector<16xf32> to vector<1x16xf32>
      tpu.vector_store %arg19[%swap3A_113, %swap3A_114], %swap3A_117 {strides = array<i32>} : memref<200x64xf32, #tpu.memory_space<vmem>>, vector<1x16xf32>,
      %get3A_118 = arith.index_cast %scan3A_95 : i32 to index
      %get3A_119 = arith.constant 32 : index
      %get3A_120 = tpu.vector_load %arg19[%get3A_118, %get3A_119] {strides = array<i32>} : memref<200x64xf32, #tpu.memory_space<vmem>>, vector<1x16xf32>,
      %get3A_121 = vector.shape_cast %get3A_120 : vector<1x16xf32> to vector<16xf32>
      %mul3A_122 = arith.mulf %get3A_121, %get3A_22 : vector<16xf32>
      %add3A_123 = arith.addf %mul3A_122, %get3A_34 : vector<16xf32>
      %swap3A_124 = arith.index_cast %scan3A_95 : i32 to index
      %swap3A_125 = arith.constant 32 : index
      %swap3A_126 = tpu.vector_load %arg19[%swap3A_124, %swap3A_125] {strides = array<i32>} : memref<200x64xf32, #tpu.memory_space<vmem>>, vector<1x16xf32>,
      %swap3A_127 = vector.shape_cast %swap3A_126 : vector<1x16xf32> to vector<16xf32>
      %swap3A_128 = vector.shape_cast %add3A_123 : vector<16xf32> to vector<1x16xf32>
      tpu.vector_store %arg19[%swap3A_124, %swap3A_125], %swap3A_128 {strides = array<i32>} : memref<200x64xf32, #tpu.memory_space<vmem>>, vector<1x16xf32>,
      %get3A_129 = arith.index_cast %scan3A_95 : i32 to index
      %get3A_130 = arith.constant 48 : index
      %get3A_131 = tpu.vector_load %arg19[%get3A_129, %get3A_130] {strides = array<i32>} : memref<200x64xf32, #tpu.memory_space<vmem>>, vector<1x16xf32>,
      %get3A_132 = vector.shape_cast %get3A_131 : vector<1x16xf32> to vector<16xf32>
      %mul3A_133 = arith.mulf %get3A_132, %get3A_25 : vector<16xf32>
      %add3A_134 = arith.addf %mul3A_133, %get3A_37 : vector<16xf32>
      %swap3A_135 = arith.index_cast %scan3A_95 : i32 to index
      %swap3A_136 = arith.constant 48 : index
      %swap3A_137 = tpu.vector_load %arg19[%swap3A_135, %swap3A_136] {strides = array<i32>} : memref<200x64xf32, #tpu.memory_space<vmem>>, vector<1x16xf32>,
      %swap3A_138 = vector.shape_cast %swap3A_137 : vector<1x16xf32> to vector<16xf32>
      %swap3A_139 = vector.shape_cast %add3A_134 : vector<16xf32> to vector<1x16xf32>
      tpu.vector_store %arg19[%swap3A_135, %swap3A_136], %swap3A_139 {strides = array<i32>} : memref<200x64xf32, #tpu.memory_space<vmem>>, vector<1x16xf32>,
      %scan3A_140 = arith.constant 0 : i32
      scf.yield %scan3A_140 : i32
    }
    %scan3A_43 = arith.constant 200 : i32
    %eq3A = arith.constant 0 : i32
    %eq3A_44 = arith.cmpi eq, %arg1, %eq3A : i32
    %convert_element_type3A = arith.extui %eq3A_44 : i1 to i32
    %cond3A = arith.constant 0 : i32
    %cond3A_45 = arith.cmpi ne, %convert_element_type3A, %cond3A : i32
    scf.if %cond3A_45 {
      "tpu.region"() ({
        %run_scoped3A = tpu.sem_alloc : memref<!tpu.dma_semaphore, #tpu.memory_space<semaphore_mem>>
        tpu.enqueue_dma source(%arg19 : memref<200x64xf32, #tpu.memory_space<vmem>>) target(%arg20 : memref<200x64xf32, #tpu.memory_space<vmem_shared>>) target_semaphore(%run_scoped3A : memref<!tpu.dma_semaphore, #tpu.memory_space<semaphore_mem>>)
        tpu.wait_dma2 semaphore(%run_scoped3A : memref<!tpu.dma_semaphore, #tpu.memory_space<semaphore_mem>>) src(%arg19 : memref<200x64xf32, #tpu.memory_space<vmem>>) dst(%arg20 : memref<200x64xf32, #tpu.memory_space<vmem_shared>>)
        tpu.yield
      }) : () -> ()
    } else {
    }
    %barrier3A = arith.constant 0 : index
    tpu.barrier barrier_id(%barrier3A)
    %add3A_46 = arith.constant 0 : i32
    %add3A_47 = arith.addi %mul3A_2, %add3A_46 : i32
    "tpu.region"() ({
      %run_scoped3A = tpu.sem_alloc : memref<!tpu.dma_semaphore, #tpu.memory_space<semaphore_mem>>
      %dma_start3A_95 = tpu.memref_slice %arg2[%add3A_47] : memref<819200xi32, #tpu.memory_space<hbm>> -> memref<128xi32, #tpu.memory_space<hbm>>
      %dma_start3A_96 = tpu.memref_slice %arg2[%add3A_47] : memref<819200xi32, #tpu.memory_space<hbm>> -> memref<128xi32, #tpu.memory_space<hbm>>
      tpu.enqueue_dma source(%dma_start3A_96 : memref<128xi32, #tpu.memory_space<hbm>>) target(%arg9 : memref<128xi32, #tpu.memory_space<vmem>>) target_semaphore(%run_scoped3A : memref<!tpu.dma_semaphore, #tpu.memory_space<semaphore_mem>>)
      %dma_wait3A_97 = tpu.memref_slice %arg2[%add3A_47] : memref<819200xi32, #tpu.memory_space<hbm>> -> memref<128xi32, #tpu.memory_space<hbm>>
      %dma_wait3A_98 = tpu.memref_slice %arg2[%add3A_47] : memref<819200xi32, #tpu.memory_space<hbm>> -> memref<128xi32, #tpu.memory_space<hbm>>
      tpu.wait_dma2 semaphore(%run_scoped3A : memref<!tpu.dma_semaphore, #tpu.memory_space<semaphore_mem>>) src(%dma_wait3A_98 : memref<128xi32, #tpu.memory_space<hbm>>) dst(%arg9 : memref<128xi32, #tpu.memory_space<vmem>>)
      tpu.yield
    }) : () -> ()
    "tpu.region"() ({
      %run_scoped3A = tpu.sem_alloc : memref<!tpu.dma_semaphore, #tpu.memory_space<semaphore_mem>>
      %dma_start3A_95 = tpu.memref_slice %arg3[%add3A_47] : memref<819200xi32, #tpu.memory_space<hbm>> -> memref<128xi32, #tpu.memory_space<hbm>>
      %dma_start3A_96 = tpu.memref_slice %arg3[%add3A_47] : memref<819200xi32, #tpu.memory_space<hbm>> -> memref<128xi32, #tpu.memory_space<hbm>>
      tpu.enqueue_dma source(%dma_start3A_96 : memref<128xi32, #tpu.memory_space<hbm>>) target(%arg11 : memref<128xi32, #tpu.memory_space<vmem>>) target_semaphore(%run_scoped3A : memref<!tpu.dma_semaphore, #tpu.memory_space<semaphore_mem>>)
      %dma_wait3A_97 = tpu.memref_slice %arg3[%add3A_47] : memref<819200xi32, #tpu.memory_space<hbm>> -> memref<128xi32, #tpu.memory_space<hbm>>
      %dma_wait3A_98 = tpu.memref_slice %arg3[%add3A_47] : memref<819200xi32, #tpu.memory_space<hbm>> -> memref<128xi32, #tpu.memory_space<hbm>>
      tpu.wait_dma2 semaphore(%run_scoped3A : memref<!tpu.dma_semaphore, #tpu.memory_space<semaphore_mem>>) src(%dma_wait3A_98 : memref<128xi32, #tpu.memory_space<hbm>>) dst(%arg11 : memref<128xi32, #tpu.memory_space<vmem>>)
      tpu.yield
    }) : () -> ()
    %dma_start3A = arith.constant 0 : i32
    %dma_start3A_48 = arith.constant 0 : i32
    %dma_start3A_49 = tpu.memref_slice %arg13[%dma_start3A, %dma_start3A_48] : memref<128x128xf32, #tpu.memory_space<vmem>> -> memref<128x128xf32, #tpu.memory_space<vmem>>
    %dma_start3A_50 = arith.constant 0 : i32
    %dma_start3A_51 = tpu.memref_slice %arg9[%dma_start3A_50] : memref<128xi32, #tpu.memory_space<vmem>> -> memref<128xi32, #tpu.memory_space<vmem>>
    %dma_start3A_52 = arith.constant 0 : i32
    %dma_start3A_53 = arith.constant 0 : i32
    %dma_start3A_54 = tpu.memref_slice %arg4[%dma_start3A_52, %dma_start3A_53] : memref<1000000x128xf32, #tpu.memory_space<hbm>> -> memref<1000000x128xf32, #tpu.memory_space<hbm>>
    tpu.enqueue_indirect_dma source(%dma_start3A_54 : memref<1000000x128xf32, #tpu.memory_space<hbm>>) target(%dma_start3A_49 : memref<128x128xf32, #tpu.memory_space<vmem>>) offsets(%dma_start3A_51 : memref<128xi32, #tpu.memory_space<vmem>>) semaphore(%arg23 : memref<!tpu.dma_semaphore, #tpu.memory_space<semaphore_mem>>)
    %dma_start3A_55 = arith.constant 0 : i32
    %dma_start3A_56 = arith.constant 0 : i32
    %dma_start3A_57 = tpu.memref_slice %arg15[%dma_start3A_55, %dma_start3A_56] : memref<128x64xf32, #tpu.memory_space<vmem>> -> memref<128x64xf32, #tpu.memory_space<vmem>>
    %dma_start3A_58 = arith.constant 0 : i32
    %dma_start3A_59 = tpu.memref_slice %arg11[%dma_start3A_58] : memref<128xi32, #tpu.memory_space<vmem>> -> memref<128xi32, #tpu.memory_space<vmem>>
    %dma_start3A_60 = arith.constant 0 : i32
    %dma_start3A_61 = arith.constant 0 : i32
    %dma_start3A_62 = tpu.memref_slice %arg20[%dma_start3A_60, %dma_start3A_61] : memref<200x64xf32, #tpu.memory_space<vmem_shared>> -> memref<200x64xf32, #tpu.memory_space<vmem_shared>>
    tpu.enqueue_indirect_dma source(%dma_start3A_62 : memref<200x64xf32, #tpu.memory_space<vmem_shared>>) target(%dma_start3A_57 : memref<128x64xf32, #tpu.memory_space<vmem>>) offsets(%dma_start3A_59 : memref<128xi32, #tpu.memory_space<vmem>>) semaphore(%arg25 : memref<!tpu.dma_semaphore, #tpu.memory_space<semaphore_mem>>)
    %add3A_63 = arith.constant 128 : i32
    %add3A_64 = arith.addi %mul3A_2, %add3A_63 : i32
    "tpu.region"() ({
      %run_scoped3A = tpu.sem_alloc : memref<!tpu.dma_semaphore, #tpu.memory_space<semaphore_mem>>
      %dma_start3A_95 = tpu.memref_slice %arg2[%add3A_64] : memref<819200xi32, #tpu.memory_space<hbm>> -> memref<128xi32, #tpu.memory_space<hbm>>
      %dma_start3A_96 = tpu.memref_slice %arg2[%add3A_64] : memref<819200xi32, #tpu.memory_space<hbm>> -> memref<128xi32, #tpu.memory_space<hbm>>
      tpu.enqueue_dma source(%dma_start3A_96 : memref<128xi32, #tpu.memory_space<hbm>>) target(%arg10 : memref<128xi32, #tpu.memory_space<vmem>>) target_semaphore(%run_scoped3A : memref<!tpu.dma_semaphore, #tpu.memory_space<semaphore_mem>>)
      %dma_wait3A_97 = tpu.memref_slice %arg2[%add3A_64] : memref<819200xi32, #tpu.memory_space<hbm>> -> memref<128xi32, #tpu.memory_space<hbm>>
      %dma_wait3A_98 = tpu.memref_slice %arg2[%add3A_64] : memref<819200xi32, #tpu.memory_space<hbm>> -> memref<128xi32, #tpu.memory_space<hbm>>
      tpu.wait_dma2 semaphore(%run_scoped3A : memref<!tpu.dma_semaphore, #tpu.memory_space<semaphore_mem>>) src(%dma_wait3A_98 : memref<128xi32, #tpu.memory_space<hbm>>) dst(%arg10 : memref<128xi32, #tpu.memory_space<vmem>>)
      tpu.yield
    }) : () -> ()
    "tpu.region"() ({
      %run_scoped3A = tpu.sem_alloc : memref<!tpu.dma_semaphore, #tpu.memory_space<semaphore_mem>>
      %dma_start3A_95 = tpu.memref_slice %arg3[%add3A_64] : memref<819200xi32, #tpu.memory_space<hbm>> -> memref<128xi32, #tpu.memory_space<hbm>>
      %dma_start3A_96 = tpu.memref_slice %arg3[%add3A_64] : memref<819200xi32, #tpu.memory_space<hbm>> -> memref<128xi32, #tpu.memory_space<hbm>>
      tpu.enqueue_dma source(%dma_start3A_96 : memref<128xi32, #tpu.memory_space<hbm>>) target(%arg12 : memref<128xi32, #tpu.memory_space<vmem>>) target_semaphore(%run_scoped3A : memref<!tpu.dma_semaphore, #tpu.memory_space<semaphore_mem>>)
      %dma_wait3A_97 = tpu.memref_slice %arg3[%add3A_64] : memref<819200xi32, #tpu.memory_space<hbm>> -> memref<128xi32, #tpu.memory_space<hbm>>
      %dma_wait3A_98 = tpu.memref_slice %arg3[%add3A_64] : memref<819200xi32, #tpu.memory_space<hbm>> -> memref<128xi32, #tpu.memory_space<hbm>>
      tpu.wait_dma2 semaphore(%run_scoped3A : memref<!tpu.dma_semaphore, #tpu.memory_space<semaphore_mem>>) src(%dma_wait3A_98 : memref<128xi32, #tpu.memory_space<hbm>>) dst(%arg12 : memref<128xi32, #tpu.memory_space<vmem>>)
      tpu.yield
    }) : () -> ()
    %dma_start3A_65 = arith.constant 0 : i32
    %dma_start3A_66 = arith.constant 0 : i32
    %dma_start3A_67 = tpu.memref_slice %arg14[%dma_start3A_65, %dma_start3A_66] : memref<128x128xf32, #tpu.memory_space<vmem>> -> memref<128x128xf32, #tpu.memory_space<vmem>>
    %dma_start3A_68 = arith.constant 0 : i32
    %dma_start3A_69 = tpu.memref_slice %arg10[%dma_start3A_68] : memref<128xi32, #tpu.memory_space<vmem>> -> memref<128xi32, #tpu.memory_space<vmem>>
    %dma_start3A_70 = arith.constant 0 : i32
    %dma_start3A_71 = arith.constant 0 : i32
    %dma_start3A_72 = tpu.memref_slice %arg4[%dma_start3A_70, %dma_start3A_71] : memref<1000000x128xf32, #tpu.memory_space<hbm>> -> memref<1000000x128xf32, #tpu.memory_space<hbm>>
    tpu.enqueue_indirect_dma source(%dma_start3A_72 : memref<1000000x128xf32, #tpu.memory_space<hbm>>) target(%dma_start3A_67 : memref<128x128xf32, #tpu.memory_space<vmem>>) offsets(%dma_start3A_69 : memref<128xi32, #tpu.memory_space<vmem>>) semaphore(%arg24 : memref<!tpu.dma_semaphore, #tpu.memory_space<semaphore_mem>>)
    %dma_start3A_73 = arith.constant 0 : i32
    %dma_start3A_74 = arith.constant 0 : i32
    %dma_start3A_75 = tpu.memref_slice %arg16[%dma_start3A_73, %dma_start3A_74] : memref<128x64xf32, #tpu.memory_space<vmem>> -> memref<128x64xf32, #tpu.memory_space<vmem>>
    %dma_start3A_76 = arith.constant 0 : i32
    %dma_start3A_77 = tpu.memref_slice %arg12[%dma_start3A_76] : memref<128xi32, #tpu.memory_space<vmem>> -> memref<128xi32, #tpu.memory_space<vmem>>
    %dma_start3A_78 = arith.constant 0 : i32
    %dma_start3A_79 = arith.constant 0 : i32
    %dma_start3A_80 = tpu.memref_slice %arg20[%dma_start3A_78, %dma_start3A_79] : memref<200x64xf32, #tpu.memory_space<vmem_shared>> -> memref<200x64xf32, #tpu.memory_space<vmem_shared>>
    tpu.enqueue_indirect_dma source(%dma_start3A_80 : memref<200x64xf32, #tpu.memory_space<vmem_shared>>) target(%dma_start3A_75 : memref<128x64xf32, #tpu.memory_space<vmem>>) offsets(%dma_start3A_77 : memref<128xi32, #tpu.memory_space<vmem>>) semaphore(%arg26 : memref<!tpu.dma_semaphore, #tpu.memory_space<semaphore_mem>>)
    %scan3A_81 = arith.constant 0 : i32
    %scan3A_82 = arith.constant 0 : i32
    %scan3A_83 = arith.constant 100 : i32
    %scan3A_84 = arith.addi %scan3A_82, %scan3A_83 : i32
    %scan3A_85 = arith.constant 1 : i32
    %scan3A_86 = scf.for %scan3A_95 = %scan3A_82 to %scan3A_84 step %scan3A_85 iter_args(%scan3A_96 = %scan3A_81) -> (i32)  : i32 {
      %mul3A_97 = arith.constant 2 : i32
      %mul3A_98 = arith.muli %scan3A_95, %mul3A_97 : i32
      %add3A_99 = arith.constant 0 : i32
      %add3A_100 = arith.addi %mul3A_98, %add3A_99 : i32
      %dma_wait3A_101 = arith.constant 0 : i32
      %dma_wait3A_102 = arith.constant 0 : i32
      %dma_wait3A_103 = tpu.memref_slice %arg13[%dma_wait3A_101, %dma_wait3A_102] : memref<128x128xf32, #tpu.memory_space<vmem>> -> memref<128x128xf32, #tpu.memory_space<vmem>>
      %dma_wait3A_104 = arith.constant 0 : i32
      %dma_wait3A_105 = tpu.memref_slice %arg9[%dma_wait3A_104] : memref<128xi32, #tpu.memory_space<vmem>> -> memref<128xi32, #tpu.memory_space<vmem>>
      %dma_wait3A_106 = arith.constant 0 : i32
      %dma_wait3A_107 = arith.constant 0 : i32
      %dma_wait3A_108 = tpu.memref_slice %arg4[%dma_wait3A_106, %dma_wait3A_107] : memref<1000000x128xf32, #tpu.memory_space<hbm>> -> memref<1000000x128xf32, #tpu.memory_space<hbm>>
      tpu.wait_indirect_dma semaphore(%arg23 : memref<!tpu.dma_semaphore, #tpu.memory_space<semaphore_mem>>) src(%dma_wait3A_108 : memref<1000000x128xf32, #tpu.memory_space<hbm>>) dst(%dma_wait3A_103 : memref<128x128xf32, #tpu.memory_space<vmem>>)
      %dma_wait3A_109 = arith.constant 0 : i32
      %dma_wait3A_110 = arith.constant 0 : i32
      %dma_wait3A_111 = tpu.memref_slice %arg15[%dma_wait3A_109, %dma_wait3A_110] : memref<128x64xf32, #tpu.memory_space<vmem>> -> memref<128x64xf32, #tpu.memory_space<vmem>>
      %dma_wait3A_112 = arith.constant 0 : i32
      %dma_wait3A_113 = tpu.memref_slice %arg11[%dma_wait3A_112] : memref<128xi32, #tpu.memory_space<vmem>> -> memref<128xi32, #tpu.memory_space<vmem>>
      %dma_wait3A_114 = arith.constant 0 : i32
      %dma_wait3A_115 = arith.constant 0 : i32
      %dma_wait3A_116 = tpu.memref_slice %arg20[%dma_wait3A_114, %dma_wait3A_115] : memref<200x64xf32, #tpu.memory_space<vmem_shared>> -> memref<200x64xf32, #tpu.memory_space<vmem_shared>>
      tpu.wait_indirect_dma semaphore(%arg25 : memref<!tpu.dma_semaphore, #tpu.memory_space<semaphore_mem>>) src(%dma_wait3A_116 : memref<200x64xf32, #tpu.memory_space<vmem_shared>>) dst(%dma_wait3A_111 : memref<128x64xf32, #tpu.memory_space<vmem>>)
      %add3A_117 = arith.constant 2 : i32
      %add3A_118 = arith.addi %add3A_100, %add3A_117 : i32
      %lt3A = arith.constant 200 : i32
      %lt3A_119 = arith.cmpi slt, %add3A_118, %lt3A : i32
      %convert_element_type3A_120 = arith.extui %lt3A_119 : i1 to i32
      %cond3A_121 = arith.constant 0 : i32
      %cond3A_122 = arith.cmpi ne, %convert_element_type3A_120, %cond3A_121 : i32
      scf.if %cond3A_122 {
        %add3A_194 = arith.constant 2 : i32
        %add3A_195 = arith.addi %add3A_100, %add3A_194 : i32
        %mul3A_196 = arith.constant 128 : i32
        %mul3A_197 = arith.muli %add3A_195, %mul3A_196 : i32
        %add3A_198 = arith.addi %mul3A_2, %mul3A_197 : i32
        %dma_start3A_199 = tpu.memref_slice %arg2[%add3A_198] : memref<819200xi32, #tpu.memory_space<hbm>> -> memref<128xi32, #tpu.memory_space<hbm>>
        %dma_start3A_200 = tpu.memref_slice %arg2[%add3A_198] : memref<819200xi32, #tpu.memory_space<hbm>> -> memref<128xi32, #tpu.memory_space<hbm>>
        tpu.enqueue_dma source(%dma_start3A_200 : memref<128xi32, #tpu.memory_space<hbm>>) target(%arg9 : memref<128xi32, #tpu.memory_space<vmem>>) target_semaphore(%arg29 : memref<!tpu.dma_semaphore, #tpu.memory_space<semaphore_mem>>)
        %dma_start3A_201 = tpu.memref_slice %arg3[%add3A_198] : memref<819200xi32, #tpu.memory_space<hbm>> -> memref<128xi32, #tpu.memory_space<hbm>>
        %dma_start3A_202 = tpu.memref_slice %arg3[%add3A_198] : memref<819200xi32, #tpu.memory_space<hbm>> -> memref<128xi32, #tpu.memory_space<hbm>>
        tpu.enqueue_dma source(%dma_start3A_202 : memref<128xi32, #tpu.memory_space<hbm>>) target(%arg11 : memref<128xi32, #tpu.memory_space<vmem>>) target_semaphore(%arg29 : memref<!tpu.dma_semaphore, #tpu.memory_space<semaphore_mem>>)
      } else {
      }
      %ge3A = arith.constant 2 : i32
      %ge3A_123 = arith.cmpi sge, %add3A_100, %ge3A : i32
      %convert_element_type3A_124 = arith.extui %ge3A_123 : i1 to i32
      %cond3A_125 = arith.constant 0 : i32
      %cond3A_126 = arith.cmpi ne, %convert_element_type3A_124, %cond3A_125 : i32
      scf.if %cond3A_126 {
        %dma_wait3A_194 = arith.constant 0 : i32
        %dma_wait3A_195 = tpu.memref_slice %arg8[%mul3A_2, %dma_wait3A_194] : memref<819200x64xf32, #tpu.memory_space<hbm>> -> memref<128x64xf32, #tpu.memory_space<hbm>>
        %dma_wait3A_196 = arith.constant 0 : i32
        %dma_wait3A_197 = tpu.memref_slice %arg8[%mul3A_2, %dma_wait3A_196] : memref<819200x64xf32, #tpu.memory_space<hbm>> -> memref<128x64xf32, #tpu.memory_space<hbm>>
        tpu.wait_dma2 semaphore(%arg27 : memref<!tpu.dma_semaphore, #tpu.memory_space<semaphore_mem>>) src(%arg17 : memref<128x64xf32, #tpu.memory_space<vmem>>) dst(%dma_wait3A_197 : memref<128x64xf32, #tpu.memory_space<hbm>>)
      } else {
      }
      %scan3A_127 = arith.constant 0 : i32
      %scan3A_128 = arith.constant 0 : i32
      %scan3A_129 = arith.constant 128 : i32
      %scan3A_130 = arith.addi %scan3A_128, %scan3A_129 : i32
      %scan3A_131 = arith.constant 1 : i32
      %scan3A_132 = scf.for %scan3A_194 = %scan3A_128 to %scan3A_130 step %scan3A_131 iter_args(%scan3A_195 = %scan3A_127) -> (i32)  : i32 {
        %get3A_196 = arith.index_cast %scan3A_194 : i32 to index
        %get3A_197 = arith.constant 0 : index
        %get3A_198 = tpu.vector_load %arg13[%get3A_196, %get3A_197] {strides = array<i32>} : memref<128x128xf32, #tpu.memory_space<vmem>>, vector<1x16xf32>,
        %get3A_199 = vector.shape_cast %get3A_198 : vector<1x16xf32> to vector<16xf32>
        %get3A_200 = arith.index_cast %scan3A_194 : i32 to index
        %get3A_201 = arith.constant 0 : index
        %get3A_202 = tpu.vector_load %arg15[%get3A_200, %get3A_201] {strides = array<i32>} : memref<128x64xf32, #tpu.memory_space<vmem>>, vector<1x16xf32>,
        %get3A_203 = vector.shape_cast %get3A_202 : vector<1x16xf32> to vector<16xf32>
        %mul3A_204 = arith.mulf %get3A_199, %get3A_4 : vector<16xf32>
        %add3A_205 = arith.addf %mul3A_204, %get3A_203 : vector<16xf32>
        %swap3A = arith.index_cast %scan3A_194 : i32 to index
        %swap3A_206 = arith.constant 0 : index
        %swap3A_207 = tpu.vector_load %arg17[%swap3A, %swap3A_206] {strides = array<i32>} : memref<128x64xf32, #tpu.memory_space<vmem>>, vector<1x16xf32>,
        %swap3A_208 = vector.shape_cast %swap3A_207 : vector<1x16xf32> to vector<16xf32>
        %swap3A_209 = vector.shape_cast %add3A_205 : vector<16xf32> to vector<1x16xf32>
        tpu.vector_store %arg17[%swap3A, %swap3A_206], %swap3A_209 {strides = array<i32>} : memref<128x64xf32, #tpu.memory_space<vmem>>, vector<1x16xf32>,
        %get3A_210 = arith.index_cast %scan3A_194 : i32 to index
        %get3A_211 = arith.constant 16 : index
        %get3A_212 = tpu.vector_load %arg13[%get3A_210, %get3A_211] {strides = array<i32>} : memref<128x128xf32, #tpu.memory_space<vmem>>, vector<1x16xf32>,
        %get3A_213 = vector.shape_cast %get3A_212 : vector<1x16xf32> to vector<16xf32>
        %get3A_214 = arith.index_cast %scan3A_194 : i32 to index
        %get3A_215 = arith.constant 16 : index
        %get3A_216 = tpu.vector_load %arg15[%get3A_214, %get3A_215] {strides = array<i32>} : memref<128x64xf32, #tpu.memory_space<vmem>>, vector<1x16xf32>,
        %get3A_217 = vector.shape_cast %get3A_216 : vector<1x16xf32> to vector<16xf32>
        %mul3A_218 = arith.mulf %get3A_213, %get3A_7 : vector<16xf32>
        %add3A_219 = arith.addf %mul3A_218, %get3A_217 : vector<16xf32>
        %swap3A_220 = arith.index_cast %scan3A_194 : i32 to index
        %swap3A_221 = arith.constant 16 : index
        %swap3A_222 = tpu.vector_load %arg17[%swap3A_220, %swap3A_221] {strides = array<i32>} : memref<128x64xf32, #tpu.memory_space<vmem>>, vector<1x16xf32>,
        %swap3A_223 = vector.shape_cast %swap3A_222 : vector<1x16xf32> to vector<16xf32>
        %swap3A_224 = vector.shape_cast %add3A_219 : vector<16xf32> to vector<1x16xf32>
        tpu.vector_store %arg17[%swap3A_220, %swap3A_221], %swap3A_224 {strides = array<i32>} : memref<128x64xf32, #tpu.memory_space<vmem>>, vector<1x16xf32>,
        %get3A_225 = arith.index_cast %scan3A_194 : i32 to index
        %get3A_226 = arith.constant 32 : index
        %get3A_227 = tpu.vector_load %arg13[%get3A_225, %get3A_226] {strides = array<i32>} : memref<128x128xf32, #tpu.memory_space<vmem>>, vector<1x16xf32>,
        %get3A_228 = vector.shape_cast %get3A_227 : vector<1x16xf32> to vector<16xf32>
        %get3A_229 = arith.index_cast %scan3A_194 : i32 to index
        %get3A_230 = arith.constant 32 : index
        %get3A_231 = tpu.vector_load %arg15[%get3A_229, %get3A_230] {strides = array<i32>} : memref<128x64xf32, #tpu.memory_space<vmem>>, vector<1x16xf32>,
        %get3A_232 = vector.shape_cast %get3A_231 : vector<1x16xf32> to vector<16xf32>
        %mul3A_233 = arith.mulf %get3A_228, %get3A_10 : vector<16xf32>
        %add3A_234 = arith.addf %mul3A_233, %get3A_232 : vector<16xf32>
        %swap3A_235 = arith.index_cast %scan3A_194 : i32 to index
        %swap3A_236 = arith.constant 32 : index
        %swap3A_237 = tpu.vector_load %arg17[%swap3A_235, %swap3A_236] {strides = array<i32>} : memref<128x64xf32, #tpu.memory_space<vmem>>, vector<1x16xf32>,
        %swap3A_238 = vector.shape_cast %swap3A_237 : vector<1x16xf32> to vector<16xf32>
        %swap3A_239 = vector.shape_cast %add3A_234 : vector<16xf32> to vector<1x16xf32>
        tpu.vector_store %arg17[%swap3A_235, %swap3A_236], %swap3A_239 {strides = array<i32>} : memref<128x64xf32, #tpu.memory_space<vmem>>, vector<1x16xf32>,
        %get3A_240 = arith.index_cast %scan3A_194 : i32 to index
        %get3A_241 = arith.constant 48 : index
        %get3A_242 = tpu.vector_load %arg13[%get3A_240, %get3A_241] {strides = array<i32>} : memref<128x128xf32, #tpu.memory_space<vmem>>, vector<1x16xf32>,
        %get3A_243 = vector.shape_cast %get3A_242 : vector<1x16xf32> to vector<16xf32>
        %get3A_244 = arith.index_cast %scan3A_194 : i32 to index
        %get3A_245 = arith.constant 48 : index
        %get3A_246 = tpu.vector_load %arg15[%get3A_244, %get3A_245] {strides = array<i32>} : memref<128x64xf32, #tpu.memory_space<vmem>>, vector<1x16xf32>,
        %get3A_247 = vector.shape_cast %get3A_246 : vector<1x16xf32> to vector<16xf32>
        %mul3A_248 = arith.mulf %get3A_243, %get3A_13 : vector<16xf32>
        %add3A_249 = arith.addf %mul3A_248, %get3A_247 : vector<16xf32>
        %swap3A_250 = arith.index_cast %scan3A_194 : i32 to index
        %swap3A_251 = arith.constant 48 : index
        %swap3A_252 = tpu.vector_load %arg17[%swap3A_250, %swap3A_251] {strides = array<i32>} : memref<128x64xf32, #tpu.memory_space<vmem>>, vector<1x16xf32>,
        %swap3A_253 = vector.shape_cast %swap3A_252 : vector<1x16xf32> to vector<16xf32>
        %swap3A_254 = vector.shape_cast %add3A_249 : vector<16xf32> to vector<1x16xf32>
        tpu.vector_store %arg17[%swap3A_250, %swap3A_251], %swap3A_254 {strides = array<i32>} : memref<128x64xf32, #tpu.memory_space<vmem>>, vector<1x16xf32>,
        %scan3A_255 = arith.constant 0 : i32
        scf.yield %scan3A_255 : i32
      }
      %scan3A_133 = arith.constant 128 : i32
      %mul3A_134 = arith.constant 128 : i32
      %mul3A_135 = arith.muli %add3A_100, %mul3A_134 : i32
      %add3A_136 = arith.addi %mul3A_2, %mul3A_135 : i32
      %dma_start3A_137 = arith.constant 0 : i32
      %dma_start3A_138 = tpu.memref_slice %arg8[%add3A_136, %dma_start3A_137] : memref<819200x64xf32, #tpu.memory_space<hbm>> -> memref<128x64xf32, #tpu.memory_space<hbm>>
      %dma_start3A_139 = arith.constant 0 : i32
      %dma_start3A_140 = tpu.memref_slice %arg8[%add3A_136, %dma_start3A_139] : memref<819200x64xf32, #tpu.memory_space<hbm>> -> memref<128x64xf32, #tpu.memory_space<hbm>>
      tpu.enqueue_dma source(%arg17 : memref<128x64xf32, #tpu.memory_space<vmem>>) target(%dma_start3A_140 : memref<128x64xf32, #tpu.memory_space<hbm>>) target_semaphore(%arg27 : memref<!tpu.dma_semaphore, #tpu.memory_space<semaphore_mem>>)
      %convert_element_type3A_141 = arith.extui %lt3A_119 : i1 to i32
      %cond3A_142 = arith.constant 0 : i32
      %cond3A_143 = arith.cmpi ne, %convert_element_type3A_141, %cond3A_142 : i32
      scf.if %cond3A_143 {
        %dma_wait3A_194 = arith.constant 0 : i32
        %dma_wait3A_195 = tpu.memref_slice %arg2[%dma_wait3A_194] : memref<819200xi32, #tpu.memory_space<hbm>> -> memref<128xi32, #tpu.memory_space<hbm>>
        %dma_wait3A_196 = arith.constant 0 : i32
        %dma_wait3A_197 = tpu.memref_slice %arg2[%dma_wait3A_196] : memref<819200xi32, #tpu.memory_space<hbm>> -> memref<128xi32, #tpu.memory_space<hbm>>
        tpu.wait_dma2 semaphore(%arg29 : memref<!tpu.dma_semaphore, #tpu.memory_space<semaphore_mem>>) src(%dma_wait3A_197 : memref<128xi32, #tpu.memory_space<hbm>>) dst(%arg9 : memref<128xi32, #tpu.memory_space<vmem>>)
        %dma_wait3A_198 = arith.constant 0 : i32
        %dma_wait3A_199 = tpu.memref_slice %arg3[%dma_wait3A_198] : memref<819200xi32, #tpu.memory_space<hbm>> -> memref<128xi32, #tpu.memory_space<hbm>>
        %dma_wait3A_200 = arith.constant 0 : i32
        %dma_wait3A_201 = tpu.memref_slice %arg3[%dma_wait3A_200] : memref<819200xi32, #tpu.memory_space<hbm>> -> memref<128xi32, #tpu.memory_space<hbm>>
        tpu.wait_dma2 semaphore(%arg29 : memref<!tpu.dma_semaphore, #tpu.memory_space<semaphore_mem>>) src(%dma_wait3A_201 : memref<128xi32, #tpu.memory_space<hbm>>) dst(%arg11 : memref<128xi32, #tpu.memory_space<vmem>>)
        %dma_start3A_202 = arith.constant 0 : i32
        %dma_start3A_203 = arith.constant 0 : i32
        %dma_start3A_204 = tpu.memref_slice %arg13[%dma_start3A_202, %dma_start3A_203] : memref<128x128xf32, #tpu.memory_space<vmem>> -> memref<128x128xf32, #tpu.memory_space<vmem>>
        %dma_start3A_205 = arith.constant 0 : i32
        %dma_start3A_206 = tpu.memref_slice %arg9[%dma_start3A_205] : memref<128xi32, #tpu.memory_space<vmem>> -> memref<128xi32, #tpu.memory_space<vmem>>
        %dma_start3A_207 = arith.constant 0 : i32
        %dma_start3A_208 = arith.constant 0 : i32
        %dma_start3A_209 = tpu.memref_slice %arg4[%dma_start3A_207, %dma_start3A_208] : memref<1000000x128xf32, #tpu.memory_space<hbm>> -> memref<1000000x128xf32, #tpu.memory_space<hbm>>
        tpu.enqueue_indirect_dma source(%dma_start3A_209 : memref<1000000x128xf32, #tpu.memory_space<hbm>>) target(%dma_start3A_204 : memref<128x128xf32, #tpu.memory_space<vmem>>) offsets(%dma_start3A_206 : memref<128xi32, #tpu.memory_space<vmem>>) semaphore(%arg23 : memref<!tpu.dma_semaphore, #tpu.memory_space<semaphore_mem>>)
        %dma_start3A_210 = arith.constant 0 : i32
        %dma_start3A_211 = arith.constant 0 : i32
        %dma_start3A_212 = tpu.memref_slice %arg15[%dma_start3A_210, %dma_start3A_211] : memref<128x64xf32, #tpu.memory_space<vmem>> -> memref<128x64xf32, #tpu.memory_space<vmem>>
        %dma_start3A_213 = arith.constant 0 : i32
        %dma_start3A_214 = tpu.memref_slice %arg11[%dma_start3A_213] : memref<128xi32, #tpu.memory_space<vmem>> -> memref<128xi32, #tpu.memory_space<vmem>>
        %dma_start3A_215 = arith.constant 0 : i32
        %dma_start3A_216 = arith.constant 0 : i32
        %dma_start3A_217 = tpu.memref_slice %arg20[%dma_start3A_215, %dma_start3A_216] : memref<200x64xf32, #tpu.memory_space<vmem_shared>> -> memref<200x64xf32, #tpu.memory_space<vmem_shared>>
        tpu.enqueue_indirect_dma source(%dma_start3A_217 : memref<200x64xf32, #tpu.memory_space<vmem_shared>>) target(%dma_start3A_212 : memref<128x64xf32, #tpu.memory_space<vmem>>) offsets(%dma_start3A_214 : memref<128xi32, #tpu.memory_space<vmem>>) semaphore(%arg25 : memref<!tpu.dma_semaphore, #tpu.memory_space<semaphore_mem>>)
      } else {
      }
      %mul3A_144 = arith.constant 2 : i32
      %mul3A_145 = arith.muli %scan3A_95, %mul3A_144 : i32
      %add3A_146 = arith.constant 1 : i32
      %add3A_147 = arith.addi %mul3A_145, %add3A_146 : i32
      %dma_wait3A_148 = arith.constant 0 : i32
      %dma_wait3A_149 = arith.constant 0 : i32
      %dma_wait3A_150 = tpu.memref_slice %arg14[%dma_wait3A_148, %dma_wait3A_149] : memref<128x128xf32, #tpu.memory_space<vmem>> -> memref<128x128xf32, #tpu.memory_space<vmem>>
      %dma_wait3A_151 = arith.constant 0 : i32
      %dma_wait3A_152 = tpu.memref_slice %arg10[%dma_wait3A_151] : memref<128xi32, #tpu.memory_space<vmem>> -> memref<128xi32, #tpu.memory_space<vmem>>
      %dma_wait3A_153 = arith.constant 0 : i32
      %dma_wait3A_154 = arith.constant 0 : i32
      %dma_wait3A_155 = tpu.memref_slice %arg4[%dma_wait3A_153, %dma_wait3A_154] : memref<1000000x128xf32, #tpu.memory_space<hbm>> -> memref<1000000x128xf32, #tpu.memory_space<hbm>>
      tpu.wait_indirect_dma semaphore(%arg24 : memref<!tpu.dma_semaphore, #tpu.memory_space<semaphore_mem>>) src(%dma_wait3A_155 : memref<1000000x128xf32, #tpu.memory_space<hbm>>) dst(%dma_wait3A_150 : memref<128x128xf32, #tpu.memory_space<vmem>>)
      %dma_wait3A_156 = arith.constant 0 : i32
      %dma_wait3A_157 = arith.constant 0 : i32
      %dma_wait3A_158 = tpu.memref_slice %arg16[%dma_wait3A_156, %dma_wait3A_157] : memref<128x64xf32, #tpu.memory_space<vmem>> -> memref<128x64xf32, #tpu.memory_space<vmem>>
      %dma_wait3A_159 = arith.constant 0 : i32
      %dma_wait3A_160 = tpu.memref_slice %arg12[%dma_wait3A_159] : memref<128xi32, #tpu.memory_space<vmem>> -> memref<128xi32, #tpu.memory_space<vmem>>
      %dma_wait3A_161 = arith.constant 0 : i32
      %dma_wait3A_162 = arith.constant 0 : i32
      %dma_wait3A_163 = tpu.memref_slice %arg20[%dma_wait3A_161, %dma_wait3A_162] : memref<200x64xf32, #tpu.memory_space<vmem_shared>> -> memref<200x64xf32, #tpu.memory_space<vmem_shared>>
      tpu.wait_indirect_dma semaphore(%arg26 : memref<!tpu.dma_semaphore, #tpu.memory_space<semaphore_mem>>) src(%dma_wait3A_163 : memref<200x64xf32, #tpu.memory_space<vmem_shared>>) dst(%dma_wait3A_158 : memref<128x64xf32, #tpu.memory_space<vmem>>)
      %add3A_164 = arith.constant 2 : i32
      %add3A_165 = arith.addi %add3A_147, %add3A_164 : i32
      %lt3A_166 = arith.constant 200 : i32
      %lt3A_167 = arith.cmpi slt, %add3A_165, %lt3A_166 : i32
      %convert_element_type3A_168 = arith.extui %lt3A_167 : i1 to i32
      %cond3A_169 = arith.constant 0 : i32
      %cond3A_170 = arith.cmpi ne, %convert_element_type3A_168, %cond3A_169 : i32
      scf.if %cond3A_170 {
        %add3A_194 = arith.constant 2 : i32
        %add3A_195 = arith.addi %add3A_147, %add3A_194 : i32
        %mul3A_196 = arith.constant 128 : i32
        %mul3A_197 = arith.muli %add3A_195, %mul3A_196 : i32
        %add3A_198 = arith.addi %mul3A_2, %mul3A_197 : i32
        %dma_start3A_199 = tpu.memref_slice %arg2[%add3A_198] : memref<819200xi32, #tpu.memory_space<hbm>> -> memref<128xi32, #tpu.memory_space<hbm>>
        %dma_start3A_200 = tpu.memref_slice %arg2[%add3A_198] : memref<819200xi32, #tpu.memory_space<hbm>> -> memref<128xi32, #tpu.memory_space<hbm>>
        tpu.enqueue_dma source(%dma_start3A_200 : memref<128xi32, #tpu.memory_space<hbm>>) target(%arg10 : memref<128xi32, #tpu.memory_space<vmem>>) target_semaphore(%arg30 : memref<!tpu.dma_semaphore, #tpu.memory_space<semaphore_mem>>)
        %dma_start3A_201 = tpu.memref_slice %arg3[%add3A_198] : memref<819200xi32, #tpu.memory_space<hbm>> -> memref<128xi32, #tpu.memory_space<hbm>>
        %dma_start3A_202 = tpu.memref_slice %arg3[%add3A_198] : memref<819200xi32, #tpu.memory_space<hbm>> -> memref<128xi32, #tpu.memory_space<hbm>>
        tpu.enqueue_dma source(%dma_start3A_202 : memref<128xi32, #tpu.memory_space<hbm>>) target(%arg12 : memref<128xi32, #tpu.memory_space<vmem>>) target_semaphore(%arg30 : memref<!tpu.dma_semaphore, #tpu.memory_space<semaphore_mem>>)
      } else {
      }
      %ge3A_171 = arith.constant 2 : i32
      %ge3A_172 = arith.cmpi sge, %add3A_147, %ge3A_171 : i32
      %convert_element_type3A_173 = arith.extui %ge3A_172 : i1 to i32
      %cond3A_174 = arith.constant 0 : i32
      %cond3A_175 = arith.cmpi ne, %convert_element_type3A_173, %cond3A_174 : i32
      scf.if %cond3A_175 {
        %dma_wait3A_194 = arith.constant 0 : i32
        %dma_wait3A_195 = tpu.memref_slice %arg8[%mul3A_2, %dma_wait3A_194] : memref<819200x64xf32, #tpu.memory_space<hbm>> -> memref<128x64xf32, #tpu.memory_space<hbm>>
        %dma_wait3A_196 = arith.constant 0 : i32
        %dma_wait3A_197 = tpu.memref_slice %arg8[%mul3A_2, %dma_wait3A_196] : memref<819200x64xf32, #tpu.memory_space<hbm>> -> memref<128x64xf32, #tpu.memory_space<hbm>>
        tpu.wait_dma2 semaphore(%arg28 : memref<!tpu.dma_semaphore, #tpu.memory_space<semaphore_mem>>) src(%arg18 : memref<128x64xf32, #tpu.memory_space<vmem>>) dst(%dma_wait3A_197 : memref<128x64xf32, #tpu.memory_space<hbm>>)
      } else {
      }
      %scan3A_176 = arith.constant 0 : i32
      %scan3A_177 = arith.constant 0 : i32
      %scan3A_178 = arith.constant 128 : i32
      %scan3A_179 = arith.addi %scan3A_177, %scan3A_178 : i32
      %scan3A_180 = arith.constant 1 : i32
      %scan3A_181 = scf.for %scan3A_194 = %scan3A_177 to %scan3A_179 step %scan3A_180 iter_args(%scan3A_195 = %scan3A_176) -> (i32)  : i32 {
        %get3A_196 = arith.index_cast %scan3A_194 : i32 to index
        %get3A_197 = arith.constant 0 : index
        %get3A_198 = tpu.vector_load %arg14[%get3A_196, %get3A_197] {strides = array<i32>} : memref<128x128xf32, #tpu.memory_space<vmem>>, vector<1x16xf32>,
        %get3A_199 = vector.shape_cast %get3A_198 : vector<1x16xf32> to vector<16xf32>
        %get3A_200 = arith.index_cast %scan3A_194 : i32 to index
        %get3A_201 = arith.constant 0 : index
        %get3A_202 = tpu.vector_load %arg16[%get3A_200, %get3A_201] {strides = array<i32>} : memref<128x64xf32, #tpu.memory_space<vmem>>, vector<1x16xf32>,
        %get3A_203 = vector.shape_cast %get3A_202 : vector<1x16xf32> to vector<16xf32>
        %mul3A_204 = arith.mulf %get3A_199, %get3A_4 : vector<16xf32>
        %add3A_205 = arith.addf %mul3A_204, %get3A_203 : vector<16xf32>
        %swap3A = arith.index_cast %scan3A_194 : i32 to index
        %swap3A_206 = arith.constant 0 : index
        %swap3A_207 = tpu.vector_load %arg18[%swap3A, %swap3A_206] {strides = array<i32>} : memref<128x64xf32, #tpu.memory_space<vmem>>, vector<1x16xf32>,
        %swap3A_208 = vector.shape_cast %swap3A_207 : vector<1x16xf32> to vector<16xf32>
        %swap3A_209 = vector.shape_cast %add3A_205 : vector<16xf32> to vector<1x16xf32>
        tpu.vector_store %arg18[%swap3A, %swap3A_206], %swap3A_209 {strides = array<i32>} : memref<128x64xf32, #tpu.memory_space<vmem>>, vector<1x16xf32>,
        %get3A_210 = arith.index_cast %scan3A_194 : i32 to index
        %get3A_211 = arith.constant 16 : index
        %get3A_212 = tpu.vector_load %arg14[%get3A_210, %get3A_211] {strides = array<i32>} : memref<128x128xf32, #tpu.memory_space<vmem>>, vector<1x16xf32>,
        %get3A_213 = vector.shape_cast %get3A_212 : vector<1x16xf32> to vector<16xf32>
        %get3A_214 = arith.index_cast %scan3A_194 : i32 to index
        %get3A_215 = arith.constant 16 : index
        %get3A_216 = tpu.vector_load %arg16[%get3A_214, %get3A_215] {strides = array<i32>} : memref<128x64xf32, #tpu.memory_space<vmem>>, vector<1x16xf32>,
        %get3A_217 = vector.shape_cast %get3A_216 : vector<1x16xf32> to vector<16xf32>
        %mul3A_218 = arith.mulf %get3A_213, %get3A_7 : vector<16xf32>
        %add3A_219 = arith.addf %mul3A_218, %get3A_217 : vector<16xf32>
        %swap3A_220 = arith.index_cast %scan3A_194 : i32 to index
        %swap3A_221 = arith.constant 16 : index
        %swap3A_222 = tpu.vector_load %arg18[%swap3A_220, %swap3A_221] {strides = array<i32>} : memref<128x64xf32, #tpu.memory_space<vmem>>, vector<1x16xf32>,
        %swap3A_223 = vector.shape_cast %swap3A_222 : vector<1x16xf32> to vector<16xf32>
        %swap3A_224 = vector.shape_cast %add3A_219 : vector<16xf32> to vector<1x16xf32>
        tpu.vector_store %arg18[%swap3A_220, %swap3A_221], %swap3A_224 {strides = array<i32>} : memref<128x64xf32, #tpu.memory_space<vmem>>, vector<1x16xf32>,
        %get3A_225 = arith.index_cast %scan3A_194 : i32 to index
        %get3A_226 = arith.constant 32 : index
        %get3A_227 = tpu.vector_load %arg14[%get3A_225, %get3A_226] {strides = array<i32>} : memref<128x128xf32, #tpu.memory_space<vmem>>, vector<1x16xf32>,
        %get3A_228 = vector.shape_cast %get3A_227 : vector<1x16xf32> to vector<16xf32>
        %get3A_229 = arith.index_cast %scan3A_194 : i32 to index
        %get3A_230 = arith.constant 32 : index
        %get3A_231 = tpu.vector_load %arg16[%get3A_229, %get3A_230] {strides = array<i32>} : memref<128x64xf32, #tpu.memory_space<vmem>>, vector<1x16xf32>,
        %get3A_232 = vector.shape_cast %get3A_231 : vector<1x16xf32> to vector<16xf32>
        %mul3A_233 = arith.mulf %get3A_228, %get3A_10 : vector<16xf32>
        %add3A_234 = arith.addf %mul3A_233, %get3A_232 : vector<16xf32>
        %swap3A_235 = arith.index_cast %scan3A_194 : i32 to index
        %swap3A_236 = arith.constant 32 : index
        %swap3A_237 = tpu.vector_load %arg18[%swap3A_235, %swap3A_236] {strides = array<i32>} : memref<128x64xf32, #tpu.memory_space<vmem>>, vector<1x16xf32>,
        %swap3A_238 = vector.shape_cast %swap3A_237 : vector<1x16xf32> to vector<16xf32>
        %swap3A_239 = vector.shape_cast %add3A_234 : vector<16xf32> to vector<1x16xf32>
        tpu.vector_store %arg18[%swap3A_235, %swap3A_236], %swap3A_239 {strides = array<i32>} : memref<128x64xf32, #tpu.memory_space<vmem>>, vector<1x16xf32>,
        %get3A_240 = arith.index_cast %scan3A_194 : i32 to index
        %get3A_241 = arith.constant 48 : index
        %get3A_242 = tpu.vector_load %arg14[%get3A_240, %get3A_241] {strides = array<i32>} : memref<128x128xf32, #tpu.memory_space<vmem>>, vector<1x16xf32>,
        %get3A_243 = vector.shape_cast %get3A_242 : vector<1x16xf32> to vector<16xf32>
        %get3A_244 = arith.index_cast %scan3A_194 : i32 to index
        %get3A_245 = arith.constant 48 : index
        %get3A_246 = tpu.vector_load %arg16[%get3A_244, %get3A_245] {strides = array<i32>} : memref<128x64xf32, #tpu.memory_space<vmem>>, vector<1x16xf32>,
        %get3A_247 = vector.shape_cast %get3A_246 : vector<1x16xf32> to vector<16xf32>
        %mul3A_248 = arith.mulf %get3A_243, %get3A_13 : vector<16xf32>
        %add3A_249 = arith.addf %mul3A_248, %get3A_247 : vector<16xf32>
        %swap3A_250 = arith.index_cast %scan3A_194 : i32 to index
        %swap3A_251 = arith.constant 48 : index
        %swap3A_252 = tpu.vector_load %arg18[%swap3A_250, %swap3A_251] {strides = array<i32>} : memref<128x64xf32, #tpu.memory_space<vmem>>, vector<1x16xf32>,
        %swap3A_253 = vector.shape_cast %swap3A_252 : vector<1x16xf32> to vector<16xf32>
        %swap3A_254 = vector.shape_cast %add3A_249 : vector<16xf32> to vector<1x16xf32>
        tpu.vector_store %arg18[%swap3A_250, %swap3A_251], %swap3A_254 {strides = array<i32>} : memref<128x64xf32, #tpu.memory_space<vmem>>, vector<1x16xf32>,
        %scan3A_255 = arith.constant 0 : i32
        scf.yield %scan3A_255 : i32
      }
      %scan3A_182 = arith.constant 128 : i32
      %mul3A_183 = arith.constant 128 : i32
      %mul3A_184 = arith.muli %add3A_147, %mul3A_183 : i32
      %add3A_185 = arith.addi %mul3A_2, %mul3A_184 : i32
      %dma_start3A_186 = arith.constant 0 : i32
      %dma_start3A_187 = tpu.memref_slice %arg8[%add3A_185, %dma_start3A_186] : memref<819200x64xf32, #tpu.memory_space<hbm>> -> memref<128x64xf32, #tpu.memory_space<hbm>>
      %dma_start3A_188 = arith.constant 0 : i32
      %dma_start3A_189 = tpu.memref_slice %arg8[%add3A_185, %dma_start3A_188] : memref<819200x64xf32, #tpu.memory_space<hbm>> -> memref<128x64xf32, #tpu.memory_space<hbm>>
      tpu.enqueue_dma source(%arg18 : memref<128x64xf32, #tpu.memory_space<vmem>>) target(%dma_start3A_189 : memref<128x64xf32, #tpu.memory_space<hbm>>) target_semaphore(%arg28 : memref<!tpu.dma_semaphore, #tpu.memory_space<semaphore_mem>>)
      %convert_element_type3A_190 = arith.extui %lt3A_167 : i1 to i32
      %cond3A_191 = arith.constant 0 : i32
      %cond3A_192 = arith.cmpi ne, %convert_element_type3A_190, %cond3A_191 : i32
      scf.if %cond3A_192 {
        %dma_wait3A_194 = arith.constant 0 : i32
        %dma_wait3A_195 = tpu.memref_slice %arg2[%dma_wait3A_194] : memref<819200xi32, #tpu.memory_space<hbm>> -> memref<128xi32, #tpu.memory_space<hbm>>
        %dma_wait3A_196 = arith.constant 0 : i32
        %dma_wait3A_197 = tpu.memref_slice %arg2[%dma_wait3A_196] : memref<819200xi32, #tpu.memory_space<hbm>> -> memref<128xi32, #tpu.memory_space<hbm>>
        tpu.wait_dma2 semaphore(%arg30 : memref<!tpu.dma_semaphore, #tpu.memory_space<semaphore_mem>>) src(%dma_wait3A_197 : memref<128xi32, #tpu.memory_space<hbm>>) dst(%arg10 : memref<128xi32, #tpu.memory_space<vmem>>)
        %dma_wait3A_198 = arith.constant 0 : i32
        %dma_wait3A_199 = tpu.memref_slice %arg3[%dma_wait3A_198] : memref<819200xi32, #tpu.memory_space<hbm>> -> memref<128xi32, #tpu.memory_space<hbm>>
        %dma_wait3A_200 = arith.constant 0 : i32
        %dma_wait3A_201 = tpu.memref_slice %arg3[%dma_wait3A_200] : memref<819200xi32, #tpu.memory_space<hbm>> -> memref<128xi32, #tpu.memory_space<hbm>>
        tpu.wait_dma2 semaphore(%arg30 : memref<!tpu.dma_semaphore, #tpu.memory_space<semaphore_mem>>) src(%dma_wait3A_201 : memref<128xi32, #tpu.memory_space<hbm>>) dst(%arg12 : memref<128xi32, #tpu.memory_space<vmem>>)
        %dma_start3A_202 = arith.constant 0 : i32
        %dma_start3A_203 = arith.constant 0 : i32
        %dma_start3A_204 = tpu.memref_slice %arg14[%dma_start3A_202, %dma_start3A_203] : memref<128x128xf32, #tpu.memory_space<vmem>> -> memref<128x128xf32, #tpu.memory_space<vmem>>
        %dma_start3A_205 = arith.constant 0 : i32
        %dma_start3A_206 = tpu.memref_slice %arg10[%dma_start3A_205] : memref<128xi32, #tpu.memory_space<vmem>> -> memref<128xi32, #tpu.memory_space<vmem>>
        %dma_start3A_207 = arith.constant 0 : i32
        %dma_start3A_208 = arith.constant 0 : i32
        %dma_start3A_209 = tpu.memref_slice %arg4[%dma_start3A_207, %dma_start3A_208] : memref<1000000x128xf32, #tpu.memory_space<hbm>> -> memref<1000000x128xf32, #tpu.memory_space<hbm>>
        tpu.enqueue_indirect_dma source(%dma_start3A_209 : memref<1000000x128xf32, #tpu.memory_space<hbm>>) target(%dma_start3A_204 : memref<128x128xf32, #tpu.memory_space<vmem>>) offsets(%dma_start3A_206 : memref<128xi32, #tpu.memory_space<vmem>>) semaphore(%arg24 : memref<!tpu.dma_semaphore, #tpu.memory_space<semaphore_mem>>)
        %dma_start3A_210 = arith.constant 0 : i32
        %dma_start3A_211 = arith.constant 0 : i32
        %dma_start3A_212 = tpu.memref_slice %arg16[%dma_start3A_210, %dma_start3A_211] : memref<128x64xf32, #tpu.memory_space<vmem>> -> memref<128x64xf32, #tpu.memory_space<vmem>>
        %dma_start3A_213 = arith.constant 0 : i32
        %dma_start3A_214 = tpu.memref_slice %arg12[%dma_start3A_213] : memref<128xi32, #tpu.memory_space<vmem>> -> memref<128xi32, #tpu.memory_space<vmem>>
        %dma_start3A_215 = arith.constant 0 : i32
        %dma_start3A_216 = arith.constant 0 : i32
        %dma_start3A_217 = tpu.memref_slice %arg20[%dma_start3A_215, %dma_start3A_216] : memref<200x64xf32, #tpu.memory_space<vmem_shared>> -> memref<200x64xf32, #tpu.memory_space<vmem_shared>>
        tpu.enqueue_indirect_dma source(%dma_start3A_217 : memref<200x64xf32, #tpu.memory_space<vmem_shared>>) target(%dma_start3A_212 : memref<128x64xf32, #tpu.memory_space<vmem>>) offsets(%dma_start3A_214 : memref<128xi32, #tpu.memory_space<vmem>>) semaphore(%arg26 : memref<!tpu.dma_semaphore, #tpu.memory_space<semaphore_mem>>)
      } else {
      }
      %scan3A_193 = arith.constant 0 : i32
      scf.yield %scan3A_193 : i32
    }
    %scan3A_87 = arith.constant 100 : i32
    %dma_wait3A = arith.constant 0 : i32
    %dma_wait3A_88 = tpu.memref_slice %arg8[%mul3A_2, %dma_wait3A] : memref<819200x64xf32, #tpu.memory_space<hbm>> -> memref<128x64xf32, #tpu.memory_space<hbm>>
    %dma_wait3A_89 = arith.constant 0 : i32
    %dma_wait3A_90 = tpu.memref_slice %arg8[%mul3A_2, %dma_wait3A_89] : memref<819200x64xf32, #tpu.memory_space<hbm>> -> memref<128x64xf32, #tpu.memory_space<hbm>>
    tpu.wait_dma2 semaphore(%arg27 : memref<!tpu.dma_semaphore, #tpu.memory_space<semaphore_mem>>) src(%arg17 : memref<128x64xf32, #tpu.memory_space<vmem>>) dst(%dma_wait3A_90 : memref<128x64xf32, #tpu.memory_space<hbm>>)
    %dma_wait3A_91 = arith.constant 0 : i32
    %dma_wait3A_92 = tpu.memref_slice %arg8[%mul3A_2, %dma_wait3A_91] : memref<819200x64xf32, #tpu.memory_space<hbm>> -> memref<128x64xf32, #tpu.memory_space<hbm>>
    %dma_wait3A_93 = arith.constant 0 : i32
    %dma_wait3A_94 = tpu.memref_slice %arg8[%mul3A_2, %dma_wait3A_93] : memref<819200x64xf32, #tpu.memory_space<hbm>> -> memref<128x64xf32, #tpu.memory_space<hbm>>
    tpu.wait_dma2 semaphore(%arg28 : memref<!tpu.dma_semaphore, #tpu.memory_space<semaphore_mem>>) src(%arg18 : memref<128x64xf32, #tpu.memory_space<vmem>>) dst(%dma_wait3A_94 : memref<128x64xf32, #tpu.memory_space<hbm>>)
    return
  }
}

</mosaic_0001>

<sc_bundles>
// kernel: _run.3.cloned.1.call-start
scs
__scs_entry_jumppad:
0x0: {  	(pc) =	sbr.rel $0x88, $3  }
0x1: {  	(tag) =	ssettag $0x0;
	lr =	simm.s32 $0x1  }
0x2: {  	[smem:$0x3F9B] =	sst lr;
	_ =	strace $0xD0000000  }
0x3: {  	_ = 	snop  }
0x4: {  	_ = 	snop  }
0x5: {  	_ = 	snop  }
0x6: {  	_ = 	snop  }
0x7: {  	_ = 	snop  }
__scs_overlays_trampoline_lowered:
0x8: {  	[smem:$0x3FAA] =	sst s0  }
0x9: {  	[smem:$0x3FAB] =	sst s1  }
0xa: {  	[smem:$0x3FAC] =	sst s2  }
0xb: {  	[smem:$0x3FAD] =	sst s3  }
0xc: {  	[smem:$0x3FAE] =	sst s4  }
0xd: {  	[smem:$0x3FAF] =	sst s5  }
0xe: {  	[smem:$0x3FB0] =	sst s6  }
0xf: {  	[smem:$0x3FB1] =	sst s7  }
0x10: {  	[smem:$0x3FB2] =	sst s8  }
0x11: {  	[smem:$0x3FB3] =	sst s9;
	s0 =	simm.s32 @!p0 $0x0  }
0x12: {  	s1 =	sld [smem:$0x3F99];
	s0 =	simm.s32 @p0 $0x1  }
0x13: {  	[smem:$0x3FB4] =	sst s0;
	s0 =	simm.s32 @!p1 $0x0  }
0x14: {  	s2 =	sld [smem:$0x3F98];
	s0 =	simm.s32 @p1 $0x1  }
0x15: {  	[smem:$0x3FB5] =	sst s0;
	s0 =	simm.s32 @!p2 $0x0  }
0x16: {  	s3 =	sld [smem:$0x3FDB];
	s0 =	simm.s32 @p2 $0x1  }
0x17: {  	s4 =	simm.s32 $0x1BF5;
	[smem:$0x3FB7] =	sst s0  }
0x18: {  	s0 =	sld [smem:$0x3F9A];
	_ =	swait.ge [sflag:s4], $0x0  }
0x19: {  	s7 =	sld [smem:$0x3F9B]  }
0x1a: {  	s8 =	sadd.s32 $0xFFFFE003, lr  }
0x1b: {  	s9 =	sadd.s32 $0xFFFFFEF7, lr;
	s5 =	simm.s32 $0xFFFFFFFF;
	p2 =	slt.u32 s8, $0xFFFFF086  }
0x1c: {  	p1 =	slt.u32 s9, $0xF7A;
	s5 =	simm.s32 @!p2 $0x0  }
0x1d: {  	s5 =	simm.s32 @p1 $0x1;
	p0 =	seq.s32 s7, s2  }
0x1e: {  	s7 =	smul.u32 @!p0 $0xF7A, s2;
	p2 =	seq.s32 @!p0 s5, $0x0  }
0x1f: {  	s9 =	smul.u32 $0xF7A, s1;
	s8 =	simm.s32 @!p0 $0x1BF5;
	p2 =	por !p2, p0  }
0x20: {  	[sflag:s8] =	ssyncset.s32 @!p0 $0xFFFFF086;
	s6 =	sadd.s32 @!p0 s3, s7;
	s7 =	simm.s32 @!p0 $0x108  }
0x21: {  	s3 =	sadd.s32 s3, s9;
	s6 =	sadd.s32 @!p0 $0x88, s6;
	s7 =	simm.s32 @p2 $0x1082  }
0x22: {  	[simem:s7], [sflag:s8] =	dma.local @!p0 [hbm:s6], $0xF7A  }
0x23: {  	s9 =	sor.u32 $0xD0000000, s2;
	s6 =	simm.s32 $0x108;
	_ =	swait.ge @!p0 [sflag:s8], $0x0  }
0x24: {  	s3 =	sadd.s32 $0x88, s3;
	s6 =	simm.s32 @!p1 $0x1082;
	[sflag:s4] =	ssyncset.s32 $0xFFFFF086  }
0x25: {  	[simem:s6], [sflag:s4] =	dma.local [hbm:s3], $0xF7A  }
0x26: {  	[smem:$0x3F9B] =	sst s1;
	(tag) =	ssettag s2;
	_ =	strace s9  }
0x27: {  	s1 =	sld [smem:$0x3FAB]  }
0x28: {  	s2 =	sld [smem:$0x3FAC]  }
0x29: {  	s4 =	sld [smem:$0x3FAE]  }
0x2a: {  	p0 =	seq.s32 s5, $0x0;
	s5 =	sld [smem:$0x3FAF]  }
0x2b: {  	s6 =	sld [smem:$0x3FB0]  }
0x2c: {  	s7 =	sld [smem:$0x3FB1]  }
0x2d: {  	s3 =	simm.s32 $0x108;
	s8 =	sld [smem:$0x3FB2]  }
0x2e: {  	s3 =	simm.s32 @!p0 $0x1082;
	s9 =	sld [smem:$0x3FB3]  }
0x2f: {  	lr =	sadd.s32 s0, s3;
	s0 =	sld [smem:$0x3FAA]  }
0x30: {  	s3 =	sld [smem:$0x3FAD]  }
0x31: {  	[smem:$0x3FB6] =	sst s10  }
0x32: {  	s10 =	sld [smem:$0x3FB4];
	_ =	sdelay $0x3  }
0x33: {  	p0 =	seq.s32 s10, $0x1;
	s10 =	sld [smem:$0x3FB6];
	_ =	sdelay $0x3  }
0x34: {  	[smem:$0x3FB6] =	sst s10  }
0x35: {  	s10 =	sld [smem:$0x3FB5];
	_ =	sdelay $0x3  }
0x36: {  	p1 =	seq.s32 s10, $0x1;
	s10 =	sld [smem:$0x3FB6];
	_ =	sdelay $0x3  }
0x37: {  	[smem:$0x3FB6] =	sst s10  }
0x38: {  	s10 =	sld [smem:$0x3FB7]  }
0x39: {  	_ = 	snop;
	(pc) =	sbr.ind lr, $3  }
0x3a: {  	_ = 	snop  }
0x3b: {  	_ = 	snop  }
0x3c: {  	p2 =	seq.s32 s10, $0x1;
	s10 =	sld [smem:$0x3FB6]  }
0x3d: {  	_ =	shalt  }
0x3e: {  	_ =	shalt  }
0x3f: {  	_ =	shalt  }
0x40: {  	_ =	shalt  }
0x41: {  	_ =	shalt  }
0x42: {  	_ =	shalt  }
0x43: {  	_ =	shalt  }
0x44: {  	_ =	shalt  }
0x45: {  	_ =	shalt  }
0x46: {  	_ =	shalt  }
0x47: {  	_ =	shalt  }
0x48: {  	_ =	shalt  }
0x49: {  	_ =	shalt  }
0x4a: {  	_ =	shalt  }
0x4b: {  	_ =	shalt  }
0x4c: {  	_ =	shalt  }
0x4d: {  	_ =	shalt  }
0x4e: {  	_ =	shalt  }
0x4f: {  	_ =	shalt  }
0x50: {  	_ =	shalt  }
0x51: {  	_ =	shalt  }
0x52: {  	_ =	shalt  }
0x53: {  	_ =	shalt  }
0x54: {  	_ =	shalt  }
0x55: {  	_ =	shalt  }
0x56: {  	_ =	shalt  }
0x57: {  	_ =	shalt  }
0x58: {  	_ =	shalt  }
0x59: {  	_ =	shalt  }
0x5a: {  	_ =	shalt  }
0x5b: {  	_ =	shalt  }
0x5c: {  	_ =	shalt  }
0x5d: {  	_ =	shalt  }
0x5e: {  	_ =	shalt  }
0x5f: {  	_ =	shalt  }
0x60: {  	_ =	shalt  }
0x61: {  	_ =	shalt  }
0x62: {  	_ =	shalt  }
0x63: {  	_ =	shalt  }
0x64: {  	_ =	shalt  }
0x65: {  	_ =	shalt  }
0x66: {  	_ =	shalt  }
0x67: {  	_ =	shalt  }
0x68: {  	_ =	shalt  }
0x69: {  	_ =	shalt  }
0x6a: {  	_ =	shalt  }
0x6b: {  	_ =	shalt  }
0x6c: {  	_ =	shalt  }
0x6d: {  	_ =	shalt  }
0x6e: {  	_ =	shalt  }
0x6f: {  	_ =	shalt  }
0x70: {  	_ =	shalt  }
0x71: {  	_ =	shalt  }
0x72: {  	_ =	shalt  }
0x73: {  	_ =	shalt  }
0x74: {  	_ =	shalt  }
0x75: {  	_ =	shalt  }
0x76: {  	_ =	shalt  }
0x77: {  	_ =	shalt  }
0x78: {  	_ =	shalt  }
0x79: {  	_ =	shalt  }
0x7a: {  	_ =	shalt  }
0x7b: {  	_ =	shalt  }
0x7c: {  	_ =	shalt  }
0x7d: {  	_ =	shalt  }
0x7e: {  	_ =	shalt  }
0x7f: {  	_ =	shalt  }
0x80: {  	_ =	shalt  }
0x81: {  	_ =	shalt  }
0x82: {  	_ =	shalt  }
0x83: {  	_ =	shalt  }
0x84: {  	_ =	shalt  }
0x85: {  	_ =	shalt  }
0x86: {  	_ =	shalt  }
0x87: {  	_ =	shalt  }
.Lfunc_end0:
.L_simem_size_0:
called_computation.1_lowered:
.L_overlay_start_0:
0x88: {  	s2 =	sld [smem:$0x3FD9]  }
0x89: {  	s3 =	sld [smem:$0x3FFE];
	_ =	sdelay $0x1  }
0x8a: {  	s1 =	srdreg.scid  }
0x8b: {  	s0 =	sand.u32 $0x1, s1  }
0x8c: {  	s17 =	sshll.u32 s0, $0xA;
	s2 =	sadd.s32 s3, s2  }
0x8d: {  	s2 =	sadd.s32 s2, s17  }
0x8e: {  	[smem:$0x3FC2] =	sst s2  }
0x8f: {  	_ = 	snop  }
0x90: {  	s2 =	sld [smem:$0x3FC9]  }
0x91: {  	s18 =	sld [smem:$0x3FC8]  }
0x92: {  	s4 =	sld [smem:$0x3FC7]  }
0x93: {  	s5 =	sld [smem:$0x3FC5]  }
0x94: {  	s6 =	sld [smem:$0x3FC4]  }
0x95: {  	s7 =	sld [smem:$0x3FD0];
	(tm) =	ssettm $0x1  }
0x96: {  	s8 =	sld [smem:$0x3FFB];
	_ =	sdelay $0x3  }
0x97: {  	_ =	strace s8  }
0x98: {  	s8 =	sld [smem:$0x3FFC];
	_ =	sdelay $0x3  }
0x99: {  	_ =	strace s8  }
0x9a: {  	s8 =	sld [smem:$0x3FFD];
	_ =	sdelay $0x3  }
0x9b: {  	_ =	strace s8  }
0x9c: {  	_ =	strace $0x8FFFFFFF  }
0x9d: {  	s19 =	sld [smem:$0x3FDB];
	_ =	sdelay $0x1  }
0x9e: {  	s9 =	simm.s32 $_scs_section_size  }
0x9f: {  	s10 =	simm.s32 $_size__tile_overlayer_lowered;
	s11 =	simm.s32 $_tile_overlayer_lowered  }
0xa0: {  	s22 =	simm.s32 $0x1BFF;
	s21 =	sshll.u32 s11, $0x1;
	s8 =	sadd.s32 s9, s19  }
0xa1: {  	s12 =	simm.s32 $0x0;
	s20 =	sshll.u32 s10, $0x1;
	s10 =	sadd.s32 s21, s8  }
0xa2: {  	[timem:s12], [sflag:s22] =	dma.local [hbm:s10], s20  }
0xa3: {  	_ =	swait.ge [sflag:s22], s20  }
0xa4: {  	s9 =	ssub.s32 $0x0, s20;
	[sflag:s22] =	ssyncset.done $0x0  }
0xa5: {  	[sflag:s22] =	ssyncadd.s32 s9;
	_ =	sdelay $0x1  }
0xa6: {  	s23 =	simm.s32 $0x1B8B  }
0xa7: {  	_ =	swait.ge [sflag:s23], $0x1  }
0xa8: {  	[sflag:s23] =	ssyncset.done $0x0  }
0xa9: {  	s25 =	simm.s32 $0x1B8E;
	s24 =	sld [smem:$0x3FFE];
	[sflag:s23] =	ssyncadd.s32 $0xFFFFFFFF  }
0xaa: {  	s26 =	simm.s32 $execute0_lowered;
	[smem:$0x3FD2] =	sst s25  }
0xab: {  	s10 =	sshll.u32 s26, $0x1;
	_ =	strace $0x80000046;
	[dreg:$0x1] =	wrdreg $0xFFFFFFFF  }
0xac: {  	s28 =	simm.s32 $_size_execute0_lowered;
	s8 =	sadd.s32 s8, s10;
	[dreg:$0x0] =	wrdreg $0x0  }
0xad: {  	s10 =	sshll.u32 s28, $0x1;
	[dreg:$0x2] =	wrdreg s8  }
0xae: {  	[dreg:$0x3] =	wrdreg s10  }
0xaf: {  	[dreg:$0x4] =	wrdreg $0xC0  }
0xb0: {  	_ =	task [dreg:s12], $0x5FFFF  }
0xb1: {  	[dreg:$0x1] =	wrdreg $0xFFFFFFFF  }
0xb2: {  	[dreg:$0x0] =	wrdreg $0x60  }
0xb3: {  	[dreg:$0x2] =	wrdreg s2  }
0xb4: {  	[dreg:$0x3] =	wrdreg s18  }
0xb5: {  	[dreg:$0x4] =	wrdreg s4  }
0xb6: {  	[dreg:$0x5] =	wrdreg s24  }
0xb7: {  	[dreg:$0x6] =	wrdreg s5  }
0xb8: {  	[dreg:$0x7] =	wrdreg s6  }
0xb9: {  	[dreg:$0x8] =	wrdreg s7  }
0xba: {  	[dreg:$0x9] =	wrdreg $0x134000  }
0xbb: {  	[dreg:$0xa] =	wrdreg $0x9  }
0xbc: {  	_ =	task.clear_ibuf [dreg:s12], $0xBFFFF;
	_ =	strace $0x90000046  }
0xbd: {  	s29 =	simm.s32 $0x9;
	_ =	strace $0x80000048  }
0xbe: {  	_ =	swait.ge [sflag:s29], $0x1  }
0xbf: {  	[sflag:s29] =	ssyncadd.s32 $0xFFFFFFFF  }
0xc0: {  	_ =	strace $0x90000048  }
0xc1: {  	_ =	sfence  }
0xc2: {  	s30 =	sld [smem:$0x0];
	_ =	sdelay $0x2  }
0xc3: {  	s31 =	sshll.u32 s1, $0xD;
	s1 =	sshrl.u32 s1, $0x2  }
0xc4: {  	s3 =	sand.u32 $0x4000, s31;
	s1 =	sadd.s32 s1, s30  }
0xc5: {  	s0 =	sor.u32 s3, s0;
	s1 =	sshll.u32 s1, $0x11  }
0xc6: {  	s0 =	sor.u32 s1, s0  }
0xc7: {  	s0 =	sadd.s32 $0x8F2B, s0  }
0xc8: {  	[sflag:s0] =	ssyncadd.remote.s32 $0x1  }
0xc9: {  	_ =	sfence.sel $0xFFFF  }
0xca: {  	[dreg:$0x0] =	wrdreg $0xFFFFFFFF;
	(pc) =	sbr.abs _section_cstart, $3  }
0xcb: {  	[dreg:$0x1] =	wrdreg $0xFFFFFFFF  }
0xcc: {  	_ =	task.clear_ibuf [dreg:s12], $0x2FFFF;
	_ =	strace $0x9FFFFFFF  }
0xcd: {  	(tm) =	ssettm $0x7FFFFFFF  }
tec
execute0_lowered:
.L_overlay_start_1:
0x0: {  	(tag) =	ssettag $0x1  }
0x1: {  	s0 =	rddreg [dreg:$0x0]  }
0x2: {  	s1 =	rddreg [dreg:$0x1]  }
0x3: {  	s2 =	rddreg [dreg:$0x2]  }
0x4: {  	s3 =	rddreg [dreg:$0x3]  }
0x5: {  	s5 =	rddreg [dreg:$0x6];
	s4 =	srdreg.scid  }
0x6: {  	s6 =	stileid.u32;
	s7 =	rddreg [dreg:$0x7]  }
0x7: {  	s8 =	simm.s32 $0x0;
	s20 =	simm.s32 $0x9;
	s28 =	simm.s32 $0x180  }
0x8: {  	s29 =	simm.s32 $0x4200;
	s30 =	simm.s32 $0xA200;
	s31 =	simm.s32 $0x1  }
0x9: {  	s19 =	simm.s32 $0x5;
	s4 =	sand.u32 $0x1, s4;
	s9 =	sshll.u32 s6, $0x1  }
0xa: {  	[smem:$0x7FF] =	sst s8;
	s3 =	sadd.s32 $0x800, s3;
	s9 =	sor.u32 s4, s9  }
0xb: {  	p0 =	sne.s32 s6, $0x0;
	s6 =	simm.s32 $0x3;
	s10 =	smul.u32 $0x6400, s9  }
0xc: {  	_ =	strace $0x80000047;
	s4 =	ssub.s32 $0x2, s4;
	s25 =	smul.u32 $0x32000, s9  }
0xd: {  	[dreg:$0x9] =	wrdreg s3;
	s21 =	sshrl.u32 s4, $0x1;
	s15 =	smul.u32 $0x190000, s9  }
0xe: {  	s3 =	ssub.s32 s4, s21;
	s21 =	simm.s32 $0x6;
	s11 =	sshrl.u32 s10, $0x3  }
0xf: {  	s14 =	sor.u32 $0x100, s10;
	s16 =	sor.u32 $0x180, s10;
	s17 =	smax.u32 s3, $0x1  }
0x10: {  	s26 =	sadd.s32 s25, s5;
	s3 =	simm.s32 $0xC200;
	s25 =	simm.s32 $0x0  }
.Ltmp0:
0x11: {  	s22 =	sadd.s32 s0, s11;
	s23 =	sor.u32 $0x10, s11;
	(pc) =	sbr.rel .LBB2_1-.Ltmp0, $4  }
0x12: {  	s11 =	sadd.s32 s1, s11;
	s18 =	sadd.s32 $0x400, s26;
	[dreg:$0xa] =	wrdreg s22  }
0x13: {  	[dreg:$0xb] =	wrdreg s11;
	s24 =	sadd.s32 s0, s23;
	s4 =	sadd.s32 s1, s23  }
0x14: {  	s23 =	simm.s32 $0x100;
	s22 =	simm.s32 $0x8;
	[dreg:$0xc] =	wrdreg s24  }
0x15: {  	[dreg:$0xd] =	wrdreg s4;
	s24 =	simm.s32 $0x80;
	s4 =	simm.s32 $0xE200  }
.LBB2_13:
0x16: {  	s25 =	sadd.s32 $0x1, s25  }
0x17: {  	_ =	swait.ge [sflag:s19], $0x2000;
	p1 =	sne.s32 s25, s17  }
.Ltmp1:
0x18: {  	[sflag:s19] =	ssyncset.done $0x0;
	(pc) =	sbr.rel @!p1 .LBB2_14-.Ltmp1, $4  }
0x19: {  	[sflag:s19] =	ssyncadd.s32 $0xFFFFE000  }
0x1a: {  	_ =	swait.ge [sflag:s21], $0x2000  }
0x1b: {  	[sflag:s21] =	ssyncset.done $0x0  }
0x1c: {  	[sflag:s21] =	ssyncadd.s32 $0xFFFFE000  }
.LBB2_1:
0x1d: {  	s9 =	rddreg [dreg:$0x4];
	s10 =	simm.s32 $0x13720  }
0x1e: {  	[tilespmem:s10], [sflag:$0x9] =	stream.linear.gather [hbm4b:s9+s8], $0x80, $0x38;
	[tilespmem:$0x137E0] =	vst v63  }
0x1f: {  	_ =	swait.ge [sflag:s20], $0x80  }
0x20: {  	[sflag:s20] =	ssyncset.done $0x0  }
0x21: {  	[sflag:s20] =	ssyncadd.s32 $0xFFFFFF80  }
0x22: {  	s12 =	simm.s32 $0x137A0;
	s11 =	rddreg [dreg:$0x5]  }
0x23: {  	[tilespmem:s12], [sflag:$0x9] =	stream.linear.gather [hbm4b:s11+s8], $0x40, $0x38;
	[tilespmem:$0x137E0] =	vst v63  }
0x24: {  	_ =	swait.ge [sflag:s20], $0x40  }
0x25: {  	[sflag:s20] =	ssyncset.done $0x0  }
0x26: {  	[sflag:s20] =	ssyncadd.s32 $0xFFFFFFC0  }
0x27: {  	v0 =	vld [tilespmem:$0x13720]  }
0x28: {  	v1 =	vld [tilespmem:$0x13730]  }
0x29: {  	v2 =	vld [tilespmem:$0x13740]  }
0x2a: {  	v3 =	vld [tilespmem:$0x13750]  }
0x2b: {  	v8 =	vld [tilespmem:$0x13760]  }
0x2c: {  	v9 =	vld [tilespmem:$0x13770]  }
0x2d: {  	v6 =	vld [tilespmem:$0x13780]  }
0x2e: {  	v4 =	vld [tilespmem:$0x13790]  }
0x2f: {  	v11 =	vld [tilespmem:$0x137A0]  }
0x30: {  	v10 =	vld [tilespmem:$0x137B0]  }
0x31: {  	s26 =	simm.s32 $0x10200;
	s13 =	rddreg [dreg:$0x9];
	v7 =	vld [tilespmem:$0x137C0]  }
0x32: {  	v5 =	vld [tilespmem:$0x137D0];
	[tilespmem:s26], [sflag:$0x9] =	stream.linear.gather [hbm4b:s13+s8], $0x3200, $0x38  }
0x33: {  	_ =	swait.ge [sflag:s20], $0x3200  }
0x34: {  	[sflag:s20] =	ssyncset.done $0x0  }
0x35: {  	s9 =	simm.s32 $0x0;
	[sflag:s20] =	ssyncadd.s32 $0xFFFFCE00  }
0x36: {  	v12 =	vld [tilespmem:s9+$0x10200]  }
0x37: {  	v14 =	vld [tilespmem:s9+$0x10210]  }
0x38: {  	s10 =	simm.s32 $0x100;
	v13 =	vld [tilespmem:s9+$0x10220]  }
.LBB2_2:
0x39: {  	p1 =	sne.s32 s10, $0xC700;
	v15 =	vld [tilespmem:s9+$0x10230];
	_ =	sdelay $0x1  }
0x3a: {  	v12 =	vmul.f32 v12, v8  }
0x3b: {  	v14 =	vmul.f32 v14, v9  }
0x3c: {  	v12 =	vadd.f32 v12, v11;
	v13 =	vmul.f32 v13, v6  }
.Ltmp2:
0x3d: {  	v14 =	vadd.f32 v14, v10;
	v15 =	vmul.f32 v15, v4;
	(pc) =	sbr.rel @p1 .LBB2_2-.Ltmp2, $4  }
0x3e: {  	s11 =	sshra.s32 s10, $0x2;
	[tilespmem:s9+$0x10200] =	vst v12;
	v13 =	vadd.f32 v13, v7  }
0x3f: {  	v12 =	vld [tilespmem:s11+$0x10200];
	[tilespmem:s9+$0x10210] =	vst v14;
	v15 =	vadd.f32 v15, v5  }
0x40: {  	v14 =	vld [tilespmem:s11+$0x10210];
	[tilespmem:s9+$0x10220] =	vst v13  }
0x41: {  	s10 =	sadd.s32 $0x100, s10;
	v13 =	vld [tilespmem:s11+$0x10220];
	[tilespmem:s9+$0x10230] =	vst v15;
	s9 =	smov.u32 s11  }
0x42: {  	v15 =	vld [tilespmem:s9+$0x10230];
	_ =	sdelay $0x1  }
0x43: {  	v8 =	vmul.f32 v12, v8  }
0x44: {  	v9 =	vmul.f32 v14, v9  }
0x45: {  	v8 =	vadd.f32 v8, v11;
	v6 =	vmul.f32 v13, v6  }
0x46: {  	v9 =	vadd.f32 v9, v10;
	v4 =	vmul.f32 v15, v4  }
0x47: {  	[tilespmem:s9+$0x10200] =	vst v8;
	v6 =	vadd.f32 v6, v7  }
0x48: {  	[tilespmem:s9+$0x10210] =	vst v9;
	v4 =	vadd.f32 v4, v5  }
0x49: {  	[tilespmem:s9+$0x10220] =	vst v6  }
0x4a: {  	[tilespmem:s9+$0x10230] =	vst v4;
	s9 =	simm.s32 @!p0 $0x10200  }
0x4b: {  	[spmem:s7] =	stream.linear.scatter @!p0 [tilespmem:s9], [sflag:$0x9], $0x3200, $0x38;
	[tilespmem:$0x137E0] =	vst v63  }
0x4c: {  	s9 =	simm.s32 @!p0 $0x9  }
0x4d: {  	_ =	swait.ge @!p0 [sflag:s9], $0x3200  }
0x4e: {  	[sflag:s9] =	ssyncset.done @!p0 $0x0  }
0x4f: {  	[sflag:s9] =	ssyncadd.s32 @!p0 $0xFFFFCE00  }
0x50: {  	[bflag:$0x0] =	sbarrier.arrive $0xFFFF  }
0x51: {  	s26 =	simm.s32 $0x0;
	s12 =	rddreg [dreg:$0xa]  }
0x52: {  	[tilespmem:s26], [sflag:$0x9] =	stream.linear.gather [hbm4b:s12+s26], $0x80, $0x38;
	[tilespmem:$0x137E0] =	vst v63  }
0x53: {  	_ =	swait.ge [sflag:s20], $0x80  }
0x54: {  	[sflag:s20] =	ssyncset.done $0x0  }
0x55: {  	s13 =	rddreg [dreg:$0xb];
	[sflag:s20] =	ssyncadd.s32 $0xFFFFFF80  }
0x56: {  	[tilespmem:s23], [sflag:$0x9] =	stream.linear.gather [hbm4b:s13+s26], $0x80, $0x38;
	[tilespmem:$0x137E0] =	vst v63  }
0x57: {  	_ =	swait.ge [sflag:s20], $0x80  }
0x58: {  	[sflag:s20] =	ssyncset.done $0x0  }
0x59: {  	s10 =	simm.s32 $0x200;
	[sflag:s20] =	ssyncadd.s32 $0xFFFFFF80  }
0x5a: {  	[tilespmem:s10], [sflag:$0x1] =	stream.indirect.gather [hbm4b:s2+s24], $0x80, s26, s24, $0xb8;
	[tilespmem:$0x137E0] =	vst v63  }
0x5b: {  	s11 =	simm.s32 $0x8200  }
0x5c: {  	[tilespmem:s11], [sflag:$0x3] =	stream.indirect.gather [spmem:s7], $0x40, s23, s24, $0xb8;
	[tilespmem:$0x137E0] =	vst v63  }
0x5d: {  	s12 =	rddreg [dreg:$0xc]  }
0x5e: {  	[tilespmem:s24], [sflag:$0x9] =	stream.linear.gather [hbm4b:s12+s26], $0x80, $0x38;
	[tilespmem:$0x137E0] =	vst v63  }
0x5f: {  	_ =	swait.ge [sflag:s20], $0x80  }
0x60: {  	[sflag:s20] =	ssyncset.done $0x0  }
0x61: {  	s13 =	rddreg [dreg:$0xd];
	[sflag:s20] =	ssyncadd.s32 $0xFFFFFF80  }
0x62: {  	[tilespmem:s28], [sflag:$0x9] =	stream.linear.gather [hbm4b:s13+s26], $0x80, $0x38;
	[tilespmem:$0x137E0] =	vst v63  }
0x63: {  	_ =	swait.ge [sflag:s20], $0x80  }
0x64: {  	[sflag:s20] =	ssyncset.done $0x0  }
0x65: {  	[sflag:s20] =	ssyncadd.s32 $0xFFFFFF80  }
0x66: {  	[tilespmem:s29], [sflag:$0x2] =	stream.indirect.gather [hbm4b:s2+s24], $0x80, s24, s24, $0xb8;
	[tilespmem:$0x137E0] =	vst v63  }
0x67: {  	_ = 	snop  }
0x68: {  	[tilespmem:s30], [sflag:$0x4] =	stream.indirect.gather [spmem:s7], $0x40, s28, s24, $0xb8;
	[tilespmem:$0x137E0] =	vst v63  }
.LBB2_4:
0x69: {  	_ =	swait.ge [sflag:s31], $0x4000  }
0x6a: {  	p1 =	seq.s32 s26, $0x63;
	[sflag:s31] =	ssyncset.done $0x0  }
0x6b: {  	s9 =	sshll.u32 @!p1 s26, $0x8;
	p2 =	seq.s32 @!p1 s26, $0x0;
	[sflag:s31] =	ssyncadd.s32 $0xFFFFC000  }
0x6c: {  	s10 =	sadd.s32 @!p1 s9, s14;
	p2 =	por p1, !p2;
	_ =	swait.ge [sflag:s6], $0x2000  }
.Ltmp3:
0x6d: {  	s10 =	sshrl.u32 @!p1 s10, $0x3;
	[sflag:s6] =	ssyncset.done $0x0;
	(pc) =	sbr.rel @!p2 .LBB2_5-.Ltmp3, $4  }
0x6e: {  	s12 =	simm.s32 @!p1 $0x0;
	s11 =	sadd.s32 @!p1 s0, s10;
	[sflag:s6] =	ssyncadd.s32 $0xFFFFE000  }
0x6f: {  	[tilespmem:s12], [sflag:$0x7] =	stream.linear.gather @!p1 [hbm4b:s11+s12], $0x80, $0x38;
	[tilespmem:$0x137E0] =	vst v63  }
0x70: {  	s10 =	sadd.s32 @!p1 s1, s10;
	s11 =	simm.s32 @!p1 $0x100  }
0x71: {  	[tilespmem:s11], [sflag:$0x7] =	stream.linear.gather @!p1 [hbm4b:s10+s12], $0x80, $0x38;
	[tilespmem:$0x137E0] =	vst v63  }
.Ltmp4:
0x72: {  	(pc) =	sbr.rel .LBB2_7-.Ltmp4, $4  }
0x73: {  	_ = 	snop  }
0x74: {  	_ =	swait.ge [sflag:s19], $0x2000  }
0x75: {  	[sflag:s19] =	ssyncset.done $0x0  }
0x76: {  	p2 =	por $0x0, $0x0;
	[sflag:s19] =	ssyncadd.s32 $0xFFFFE000  }
.LBB2_5:
0x77: {  	p2 =	por @!p1 $0x1, $0x1  }
.LBB2_7:
0x78: {  	s10 =	simm.s32 $0x220  }
0x79: {  	s11 =	simm.s32 $0x0;
	s12 =	simm.s32 $0x100;
	v4 =	vld [tilespmem:s10+$0xFFFFFFE0]  }
.LBB2_8:
0x7a: {  	p3 =	sne.s32 s12, $0x7F00;
	s13 =	sshra.s32 s11, $0x2;
	s11 =	smov.u32 s12  }
0x7b: {  	v5 =	vld [tilespmem:s13+$0x8200];
	_ =	sdelay $0x2  }
0x7c: {  	v4 =	vmul.f32 v4, v0;
	_ =	sdelay $0x1  }
0x7d: {  	v4 =	vadd.f32 v5, v4;
	_ =	sdelay $0x1  }
0x7e: {  	[tilespmem:s13+$0xC200] =	vst v4  }
0x7f: {  	v4 =	vld [tilespmem:s10+$0xFFFFFFF0];
	_ =	sdelay $0x1  }
0x80: {  	v5 =	vld [tilespmem:s13+$0x8210];
	_ =	sdelay $0x2  }
0x81: {  	v4 =	vmul.f32 v4, v1;
	_ =	sdelay $0x1  }
0x82: {  	v4 =	vadd.f32 v5, v4;
	_ =	sdelay $0x1  }
0x83: {  	[tilespmem:s13+$0xC210] =	vst v4  }
0x84: {  	v4 =	vld [tilespmem:s10+$0x0];
	_ =	sdelay $0x1  }
0x85: {  	v5 =	vld [tilespmem:s13+$0x8220];
	_ =	sdelay $0x2  }
0x86: {  	v4 =	vmul.f32 v4, v2;
	_ =	sdelay $0x1  }
0x87: {  	v4 =	vadd.f32 v5, v4;
	_ =	sdelay $0x1  }
0x88: {  	[tilespmem:s13+$0xC220] =	vst v4  }
0x89: {  	v4 =	vld [tilespmem:s10+$0x10];
	_ =	sdelay $0x1  }
0x8a: {  	v5 =	vld [tilespmem:s13+$0x8230];
	_ =	sdelay $0x2  }
0x8b: {  	v4 =	vmul.f32 v4, v3  }
.Ltmp5:
0x8c: {  	(pc) =	sbr.rel @p3 .LBB2_8-.Ltmp5, $3  }
0x8d: {  	v4 =	vadd.f32 v5, v4;
	_ =	sdelay $0x1  }
0x8e: {  	s10 =	sadd.s32 $0x80, s10;
	[tilespmem:s13+$0xC230] =	vst v4  }
0x8f: {  	s12 =	sadd.s32 $0x100, s12;
	v4 =	vld [tilespmem:s10+$0xFFFFFFE0]  }
0x90: {  	s11 =	sshra.s32 s11, $0x2  }
0x91: {  	v5 =	vld [tilespmem:s11+$0x8200];
	_ =	sdelay $0x2  }
0x92: {  	v4 =	vmul.f32 v4, v0;
	_ =	sdelay $0x1  }
0x93: {  	v4 =	vadd.f32 v5, v4;
	_ =	sdelay $0x1  }
0x94: {  	[tilespmem:s11+$0xC200] =	vst v4  }
0x95: {  	v4 =	vld [tilespmem:s10+$0xFFFFFFF0];
	_ =	sdelay $0x1  }
0x96: {  	v5 =	vld [tilespmem:s11+$0x8210];
	_ =	sdelay $0x2  }
0x97: {  	v4 =	vmul.f32 v4, v1;
	_ =	sdelay $0x1  }
0x98: {  	v4 =	vadd.f32 v5, v4;
	_ =	sdelay $0x1  }
0x99: {  	[tilespmem:s11+$0xC210] =	vst v4  }
0x9a: {  	v4 =	vld [tilespmem:s10+$0x0];
	_ =	sdelay $0x1  }
0x9b: {  	v5 =	vld [tilespmem:s11+$0x8220];
	_ =	sdelay $0x2  }
0x9c: {  	v4 =	vmul.f32 v4, v2;
	_ =	sdelay $0x1  }
0x9d: {  	v4 =	vadd.f32 v5, v4;
	_ =	sdelay $0x1  }
0x9e: {  	[tilespmem:s11+$0xC220] =	vst v4  }
0x9f: {  	v4 =	vld [tilespmem:s10+$0x10];
	_ =	sdelay $0x1  }
0xa0: {  	v5 =	vld [tilespmem:s11+$0x8230];
	_ =	sdelay $0x2  }
0xa1: {  	v4 =	vmul.f32 v4, v3  }
0xa2: {  	s13 =	sshll.u32 s26, $0xE  }
0xa3: {  	s10 =	sadd.s32 s15, s13;
	v4 =	vadd.f32 v5, v4  }
0xa4: {  	s10 =	sshrl.u32 s10, $0x3  }
0xa5: {  	s10 =	sadd.s32 s5, s10;
	[tilespmem:s11+$0xC230] =	vst v4  }
0xa6: {  	[hbm4b:s10+s8] =	stream.linear.scatter [tilespmem:s3], [sflag:$0x5], $0x2000, $0x38;
	[tilespmem:$0x137E0] =	vst v63  }
0xa7: {  	s10 =	simm.s32 @p1 $0x2  }
0xa8: {  	_ =	swait.ge @p1 [sflag:s10], $0x4000  }
0xa9: {  	[sflag:s10] =	ssyncset.done @p1 $0x0  }
0xaa: {  	[sflag:s10] =	ssyncadd.s32 @p1 $0xFFFFC000;
	s10 =	simm.s32 @p1 $0x4  }
0xab: {  	_ =	swait.ge @p1 [sflag:s10], $0x2000  }
0xac: {  	[sflag:s10] =	ssyncset.done @p1 $0x0  }
0xad: {  	[sflag:s10] =	ssyncadd.s32 @p1 $0xFFFFE000;
	s10 =	simm.s32 @!p1 $0x7  }
0xae: {  	_ =	swait.ge @!p1 [sflag:s10], $0x80  }
0xaf: {  	[sflag:s10] =	ssyncset.done @!p1 $0x0  }
0xb0: {  	[sflag:s10] =	ssyncadd.s32 @!p1 $0xFFFFFF80  }
0xb1: {  	_ =	swait.ge @!p1 [sflag:s10], $0x80  }
0xb2: {  	s12 =	simm.s32 @!p1 $0x200;
	[sflag:s10] =	ssyncset.done @!p1 $0x0  }
0xb3: {  	s11 =	simm.s32 @!p1 $0x0;
	[sflag:s10] =	ssyncadd.s32 @!p1 $0xFFFFFF80;
	s10 =	simm.s32 @!p1 $0x80  }
0xb4: {  	[tilespmem:s12], [sflag:$0x1] =	stream.indirect.gather @!p1 [hbm4b:s2+s10], $0x80, s11, s10, $0xb8;
	[tilespmem:$0x137E0] =	vst v63  }
0xb5: {  	s13 =	simm.s32 @!p1 $0x8200;
	s12 =	simm.s32 @!p1 $0x100  }
0xb6: {  	[tilespmem:s13], [sflag:$0x3] =	stream.indirect.gather @!p1 [spmem:s7], $0x40, s12, s10, $0xb8;
	[tilespmem:$0x137E0] =	vst v63  }
0xb7: {  	s12 =	simm.s32 @!p1 $0x2  }
0xb8: {  	_ =	swait.ge @!p1 [sflag:s12], $0x4000  }
0xb9: {  	[sflag:s12] =	ssyncset.done @!p1 $0x0  }
0xba: {  	[sflag:s12] =	ssyncadd.s32 @!p1 $0xFFFFC000;
	s12 =	simm.s32 @!p1 $0x4  }
0xbb: {  	s9 =	sadd.s32 @!p1 s9, s16;
	_ =	swait.ge @!p1 [sflag:s12], $0x2000  }
0xbc: {  	s9 =	sshrl.u32 @!p1 s9, $0x3;
	[sflag:s12] =	ssyncset.done @!p1 $0x0  }
0xbd: {  	[sflag:s12] =	ssyncadd.s32 @!p1 $0xFFFFE000;
	s12 =	sadd.s32 @!p1 s0, s9  }
0xbe: {  	[tilespmem:s10], [sflag:$0x8] =	stream.linear.gather @!p1 [hbm4b:s12+s11], $0x80, $0x38;
	[tilespmem:$0x137E0] =	vst v63  }
0xbf: {  	s9 =	sadd.s32 @!p1 s1, s9;
	s10 =	simm.s32 @!p1 $0x180  }
0xc0: {  	[tilespmem:s10], [sflag:$0x8] =	stream.linear.gather @!p1 [hbm4b:s9+s11], $0x80, $0x38;
	[tilespmem:$0x137E0] =	vst v63  }
0xc1: {  	s9 =	simm.s32 @!p2 $0x6  }
0xc2: {  	_ =	swait.ge @!p2 [sflag:s9], $0x2000  }
0xc3: {  	[sflag:s9] =	ssyncset.done @!p2 $0x0  }
0xc4: {  	[sflag:s9] =	ssyncadd.s32 @!p2 $0xFFFFE000;
	s9 =	simm.s32 $0x4220  }
0xc5: {  	s10 =	simm.s32 $0x0;
	s11 =	simm.s32 $0x100;
	v4 =	vld [tilespmem:s9+$0xFFFFFFE0]  }
.LBB2_10:
0xc6: {  	p2 =	sne.s32 s11, $0x7F00;
	s12 =	sshra.s32 s10, $0x2;
	s10 =	smov.u32 s11  }
0xc7: {  	v5 =	vld [tilespmem:s12+$0xA200];
	_ =	sdelay $0x2  }
0xc8: {  	v4 =	vmul.f32 v4, v0;
	_ =	sdelay $0x1  }
0xc9: {  	v4 =	vadd.f32 v5, v4;
	_ =	sdelay $0x1  }
0xca: {  	[tilespmem:s12+$0xE200] =	vst v4  }
0xcb: {  	v4 =	vld [tilespmem:s9+$0xFFFFFFF0];
	_ =	sdelay $0x1  }
0xcc: {  	v5 =	vld [tilespmem:s12+$0xA210];
	_ =	sdelay $0x2  }
0xcd: {  	v4 =	vmul.f32 v4, v1;
	_ =	sdelay $0x1  }
0xce: {  	v4 =	vadd.f32 v5, v4;
	_ =	sdelay $0x1  }
0xcf: {  	[tilespmem:s12+$0xE210] =	vst v4  }
0xd0: {  	v4 =	vld [tilespmem:s9+$0x0];
	_ =	sdelay $0x1  }
0xd1: {  	v5 =	vld [tilespmem:s12+$0xA220];
	_ =	sdelay $0x2  }
0xd2: {  	v4 =	vmul.f32 v4, v2;
	_ =	sdelay $0x1  }
0xd3: {  	v4 =	vadd.f32 v5, v4;
	_ =	sdelay $0x1  }
0xd4: {  	[tilespmem:s12+$0xE220] =	vst v4  }
0xd5: {  	v4 =	vld [tilespmem:s9+$0x10];
	_ =	sdelay $0x1  }
0xd6: {  	v5 =	vld [tilespmem:s12+$0xA230];
	_ =	sdelay $0x2  }
0xd7: {  	v4 =	vmul.f32 v4, v3  }
.Ltmp6:
0xd8: {  	(pc) =	sbr.rel @p2 .LBB2_10-.Ltmp6, $3  }
0xd9: {  	v4 =	vadd.f32 v5, v4;
	_ =	sdelay $0x1  }
0xda: {  	s9 =	sadd.s32 $0x80, s9;
	[tilespmem:s12+$0xE230] =	vst v4  }
0xdb: {  	s11 =	sadd.s32 $0x100, s11;
	v4 =	vld [tilespmem:s9+$0xFFFFFFE0]  }
0xdc: {  	s10 =	sshra.s32 s10, $0x2  }
0xdd: {  	v5 =	vld [tilespmem:s10+$0xA200];
	_ =	sdelay $0x2  }
0xde: {  	v4 =	vmul.f32 v4, v0;
	_ =	sdelay $0x1  }
0xdf: {  	v4 =	vadd.f32 v5, v4;
	_ =	sdelay $0x1  }
0xe0: {  	[tilespmem:s10+$0xE200] =	vst v4  }
0xe1: {  	v4 =	vld [tilespmem:s9+$0xFFFFFFF0];
	_ =	sdelay $0x1  }
0xe2: {  	v5 =	vld [tilespmem:s10+$0xA210];
	_ =	sdelay $0x2  }
0xe3: {  	v4 =	vmul.f32 v4, v1;
	_ =	sdelay $0x1  }
0xe4: {  	v4 =	vadd.f32 v5, v4;
	_ =	sdelay $0x1  }
0xe5: {  	[tilespmem:s10+$0xE210] =	vst v4  }
0xe6: {  	v4 =	vld [tilespmem:s9+$0x0];
	_ =	sdelay $0x1  }
0xe7: {  	v5 =	vld [tilespmem:s10+$0xA220];
	_ =	sdelay $0x2  }
0xe8: {  	v4 =	vmul.f32 v4, v2;
	_ =	sdelay $0x1  }
0xe9: {  	v4 =	vadd.f32 v5, v4;
	_ =	sdelay $0x1  }
0xea: {  	[tilespmem:s10+$0xE220] =	vst v4  }
0xeb: {  	v4 =	vld [tilespmem:s9+$0x10];
	_ =	sdelay $0x1  }
0xec: {  	v5 =	vld [tilespmem:s10+$0xA230];
	_ =	sdelay $0x2  }
0xed: {  	v4 =	vmul.f32 v4, v3  }
.Ltmp7:
0xee: {  	_ = 	snop;
	(pc) =	sbr.rel @p1 .LBB2_13-.Ltmp7, $4  }
0xef: {  	v4 =	vadd.f32 v5, v4  }
0xf0: {  	s13 =	sshll.u32 s26, $0xB  }
0xf1: {  	s9 =	sadd.s32 s18, s13;
	[tilespmem:s10+$0xE230] =	vst v4  }
0xf2: {  	[hbm4b:s9+s8] =	stream.linear.scatter [tilespmem:s4], [sflag:$0x6], $0x2000, $0x38;
	[tilespmem:$0x137E0] =	vst v63  }
0xf3: {  	_ =	swait.ge [sflag:s22], $0x80  }
0xf4: {  	[sflag:s22] =	ssyncset.done $0x0  }
0xf5: {  	[sflag:s22] =	ssyncadd.s32 $0xFFFFFF80  }
0xf6: {  	_ =	swait.ge [sflag:s22], $0x80  }
.Ltmp8:
0xf7: {  	[sflag:s22] =	ssyncset.done $0x0;
	(pc) =	sbr.rel .LBB2_4-.Ltmp8, $4  }
0xf8: {  	[sflag:s22] =	ssyncadd.s32 $0xFFFFFF80  }
0xf9: {  	[tilespmem:s29], [sflag:$0x2] =	stream.indirect.gather [hbm4b:s2+s24], $0x80, s24, s24, $0xb8;
	[tilespmem:$0x137E0] =	vst v63  }
0xfa: {  	s26 =	sadd.s32 $0x1, s26  }
0xfb: {  	[tilespmem:s30], [sflag:$0x4] =	stream.indirect.gather [spmem:s7], $0x40, s28, s24, $0xb8;
	[tilespmem:$0x137E0] =	vst v63  }
.LBB2_14:
0xfc: {  	_ =	sfence.sel $0x180000  }
0xfd: {  	[bflag:$0x0] =	sbarrier.arrive $0xFFFF  }
0xfe: {  	_ =	strace $0x90000047  }
0xff: {  	[bflag:$0x2] =	sbarrier.arrive $0xFFFF  }
0x100: {  	s0 =	rddreg [dreg:$0x8]  }
0x101: {  	s0 =	sadd.s32 @!p0 $0x100000, s0  }
0x102: {  	[sflag:s0] =	ssyncadd.tile.s32 @!p0 $0x1;
	_ =	shalt  }
.Lfunc_end2:
_tile_overlayer_lowered:
.L_overlay_start_2:
0x103: {  	(tag) =	ssettag $0x2  }
0x104: {  	s0 =	rddreg [dreg:$0x0];
	s2 =	stileid.u32  }
0x105: {  	s1 =	rddreg [dreg:$0x1];
	p0 =	sne.s32 s2, $0x0  }
0x106: {  	s3 =	rddreg [dreg:$0x2];
	[bflag:$0x3] =	sbarrier.arrive $0xFFFF;
	s2 =	simm.s32 @!p0 $0x1C09  }
0x107: {  	[timem:s3], [sflag:s2] =	dma.local @!p0 [hbm:s0], s1  }
0x108: {  	s0 =	simm.s32 @!p0 $0x9  }
0x109: {  	_ =	swait.ge @!p0 [sflag:s0], s1  }
0x10a: {  	s1 =	ssub.s32 @!p0 $0x0, s1;
	[sflag:s0] =	ssyncset.done @!p0 $0x0  }
0x10b: {  	[sflag:s0] =	ssyncadd.s32 @!p0 s1  }
0x10c: {  	[bflag:$0x3] =	sbarrier.arrive $0xFFFF  }
0x10d: {  	_ =	shalt  }

// kernel: sparse-core-data-format-call.cloned.1.call-start
scs
called_computation_lowered:
.L_overlay_start_0:
0x0: {  	s2 =	sld [smem:$0x3FD9]  }
0x1: {  	s3 =	sld [smem:$0x3FFE];
	_ =	sdelay $0x1  }
0x2: {  	s1 =	srdreg.scid  }
0x3: {  	s0 =	sand.u32 $0x1, s1  }
0x4: {  	s18 =	sshll.u32 s0, $0xA;
	s2 =	sadd.s32 s3, s2  }
0x5: {  	s2 =	sadd.s32 s2, s18  }
0x6: {  	[smem:$0x3FC2] =	sst s2  }
0x7: {  	_ = 	snop  }
0x8: {  	s2 =	sld [smem:$0x3FD0];
	(tm) =	ssettm $0x1  }
0x9: {  	s19 =	sld [smem:$0x3FFB];
	_ =	sdelay $0x3  }
0xa: {  	_ =	strace s19  }
0xb: {  	s3 =	sld [smem:$0x3FFC];
	_ =	sdelay $0x3  }
0xc: {  	_ =	strace s3  }
0xd: {  	s3 =	sld [smem:$0x3FFD];
	_ =	sdelay $0x3  }
0xe: {  	_ =	strace s3  }
0xf: {  	_ =	strace $0x8FFFFFFF  }
0x10: {  	s20 =	sld [smem:$0x3FDB];
	_ =	sdelay $0x1  }
0x11: {  	s4 =	simm.s32 $_scs_section_size  }
0x12: {  	s5 =	simm.s32 $_size__tile_overlayer_lowered;
	s6 =	simm.s32 $_tile_overlayer_lowered  }
0x13: {  	s23 =	simm.s32 $0x1BFF;
	s22 =	sshll.u32 s6, $0x1;
	s3 =	sadd.s32 s4, s20  }
0x14: {  	s7 =	simm.s32 $0x0;
	s21 =	sshll.u32 s5, $0x1;
	s5 =	sadd.s32 s22, s3  }
0x15: {  	[timem:s7], [sflag:s23] =	dma.local [hbm:s5], s21  }
0x16: {  	_ =	swait.ge [sflag:s23], s21  }
0x17: {  	s4 =	ssub.s32 $0x0, s21;
	[sflag:s23] =	ssyncset.done $0x0  }
0x18: {  	[sflag:s23] =	ssyncadd.s32 s4;
	_ =	sdelay $0x1  }
0x19: {  	s24 =	simm.s32 $0x1B8B  }
0x1a: {  	_ =	swait.ge [sflag:s24], $0x1  }
0x1b: {  	[sflag:s24] =	ssyncset.done $0x0  }
0x1c: {  	s26 =	simm.s32 $0x1B8E;
	s25 =	sld [smem:$0x3FFE];
	[sflag:s24] =	ssyncadd.s32 $0xFFFFFFFF  }
0x1d: {  	s27 =	simm.s32 $execute0_lowered;
	[smem:$0x3FD2] =	sst s26  }
0x1e: {  	s5 =	sshll.u32 s27, $0x1;
	_ =	strace $0x80000049;
	[dreg:$0x1] =	wrdreg $0xFFFFFFFF  }
0x1f: {  	s28 =	simm.s32 $_size_execute0_lowered;
	s3 =	sadd.s32 s3, s5;
	[dreg:$0x0] =	wrdreg $0x0  }
0x20: {  	s5 =	sshll.u32 s28, $0x1;
	[dreg:$0x2] =	wrdreg s3  }
0x21: {  	[dreg:$0x3] =	wrdreg s5  }
0x22: {  	[dreg:$0x4] =	wrdreg $0xC0  }
0x23: {  	_ =	task [dreg:s7], $0x5FFFF  }
0x24: {  	[dreg:$0x1] =	wrdreg $0xFFFFFFFF  }
0x25: {  	[dreg:$0x0] =	wrdreg $0x60  }
0x26: {  	[dreg:$0x2] =	wrdreg s25  }
0x27: {  	[dreg:$0x3] =	wrdreg s2  }
0x28: {  	[dreg:$0x4] =	wrdreg $0x9  }
0x29: {  	_ =	task.clear_ibuf [dreg:s7], $0x5FFFF;
	_ =	strace $0x90000049  }
0x2a: {  	s29 =	simm.s32 $0x9;
	_ =	strace $0x8000004B  }
0x2b: {  	_ =	swait.ge [sflag:s29], $0x1  }
0x2c: {  	[sflag:s29] =	ssyncadd.s32 $0xFFFFFFFF  }
0x2d: {  	_ =	strace $0x9000004B  }
0x2e: {  	_ =	sfence  }
0x2f: {  	s30 =	sld [smem:$0x0];
	_ =	sdelay $0x2  }
0x30: {  	s31 =	sshll.u32 s1, $0xD;
	s1 =	sshrl.u32 s1, $0x2  }
0x31: {  	s3 =	sand.u32 $0x4000, s31;
	s1 =	sadd.s32 s1, s30  }
0x32: {  	s0 =	sor.u32 s3, s0;
	s1 =	sshll.u32 s1, $0x11  }
0x33: {  	s0 =	sor.u32 s1, s0  }
0x34: {  	s0 =	sadd.s32 $0x8F2B, s0  }
0x35: {  	[sflag:s0] =	ssyncadd.remote.s32 $0x1  }
0x36: {  	_ =	sfence.sel $0xFFFF  }
0x37: {  	[dreg:$0x0] =	wrdreg $0xFFFFFFFF;
	(pc) =	sbr.abs _section_cstart, $3  }
0x38: {  	[dreg:$0x1] =	wrdreg $0xFFFFFFFF  }
0x39: {  	_ =	task.clear_ibuf [dreg:s7], $0x2FFFF;
	_ =	strace $0x9FFFFFFF  }
0x3a: {  	(tm) =	ssettm $0x7FFFFFFF  }
0x3b: {  	_ =	shalt  }
tec
execute0_lowered:
.L_overlay_start_1:
0x0: {  	(tag) =	ssettag $0x1  }
0x1: {  	s0 =	srdreg.scid  }
0x2: {  	s1 =	sshll.u32 s0, $0x4  }
0x3: {  	s4 =	rddreg [dreg:$0x0];
	s0 =	stileid.u32;
	s1 =	sand.u32 $0x10, s1  }
0x4: {  	s2 =	rddreg [dreg:$0x1];
	s7 =	simm.s32 $0x1;
	s1 =	sor.u32 s0, s1  }
0x5: {  	s8 =	simm.s32 $0x2;
	s11 =	simm.s32 $0x0;
	s3 =	sshll.u32 s1, $0x7  }
0x6: {  	s10 =	simm.s32 $0x0;
	s4 =	sadd.s32 $0x800, s4;
	s6 =	ssub.s32 $0xC8000, s3  }
.Ltmp0:
0x7: {  	s1 =	rddreg [dreg:$0x2];
	s5 =	sand.u32 $0xF80, s6;
	(pc) =	sbr.rel .LBB1_1-.Ltmp0, $4  }
0x8: {  	_ =	strace $0x8000004A;
	s9 =	smov.u32 s3;
	p0 =	sne.s32 s5, $0x0  }
0x9: {  	s6 =	sshrl.u32 s6, $0xC;
	s5 =	simm.s32 $0x1;
	s7 =	simm.s32 @!p0 $0x0  }
0xa: {  	[sflag:s5] =	ssyncpa.u1 $0x0;
	p0 =	por $0x0, $0x0;
	s6 =	sadd.s32 s7, s6  }
0xb: {  	[sflag:s8] =	ssyncpa.u1 $0x0;
	s8 =	simm.s32 $0x640000;
	s7 =	sadd.s32 $0x1, s6  }
.LBB1_4:
0xc: {  	s14 =	sshll.u32 s11, $0x3  }
0xd: {  	s30 =	sand.u32 $0x7F, s11;
	s15 =	sand.u32 $0xFFFFFC00, s14  }
0xe: {  	s11 =	sor.u32 s30, s15  }
0xf: {  	s15 =	smulhi.u32 $0x51EB851F, s11  }
0x10: {  	s14 =	smulhi.u32 $0x51EB851F, s14  }
0x11: {  	s15 =	sshrl.u32 s15, $0x12  }
0x12: {  	s14 =	sshrl.u32 s14, $0x12;
	s15 =	smul.u32 $0xC8000, s15  }
0x13: {  	s14 =	sand.u32 $0x3F, s14  }
0x14: {  	s14 =	smul.u32 $0x19000, s14;
	s11 =	ssub.s32 s11, s15  }
0x15: {  	[tilespmem:s13+$0x810 ss:$0x81] =	vst.msk $0xffff, v2;
	s15 =	sand.u32 $0x7, s11  }
0x16: {  	[tilespmem:s13+$0x1020 ss:$0x81] =	vst.msk $0xffff, v0;
	s14 =	sadd.s32 s2, s14;
	s11 =	sshrl.u32 s11, $0x3;
	s15 =	sshll.u32 s15, $0x12  }
0x17: {  	[tilespmem:s13+$0x0 ss:$0x81] =	vst.msk $0xffff, v1;
	s11 =	sadd.s32 s11, s14;
	s31 =	sor.u32 $0x400, s15  }
0x18: {  	[hbm4b:s11+s31] =	stream.strided.scatter [tilespmem:s12], [sflag:$0x2], $0x2000, s8, s31, $0x20;
	[tilespmem:$0x8080] =	vst v63  }
.LBB1_5:
0x19: {  	s13 =	sadd.s32 $0x1000, s9  }
0x1a: {  	p2 =	sgt.s32 s13, $0xC7FFF  }
0x1b: {  	s13 =	smov.u32 @p2 s3;
	p2 =	sne.s32 s10, s7  }
.Ltmp1:
0x1c: {  	p1 =	slt.u32 s10, $0x2;
	(pc) =	sbr.rel @!p2 .LBB1_6-.Ltmp1, $4  }
0x1d: {  	s12 =	simm.s32 @!p1 $0x2  }
0x1e: {  	s14 =	sadd.s32 $0x1, s10;
	_ =	swait.ge @!p1 [sflag:s12], $0x2000  }
0x1f: {  	s11 =	smov.u32 s9;
	p0 =	por !p0, !p0;
	[sflag:s12] =	ssyncset.done @!p1 $0x0  }
0x20: {  	s10 =	smov.u32 s14;
	s9 =	smov.u32 s13;
	[sflag:s12] =	ssyncadd.s32 @!p1 $0xFFFFE000  }
.LBB1_1:
0x21: {  	p1 =	sge.u32 s10, s6  }
0x22: {  	s12 =	sand.u32 @!p1 $0x1FFFFFF, s9  }
0x23: {  	s13 =	smulhi.u32 @!p1 $0x147AE15, s12;
	_ =	sdelay $0x1  }
0x24: {  	s13 =	sshrl.u32 @!p1 s13, $0xC  }
0x25: {  	s13 =	smul.u32 @!p1 $0xC8000, s13;
	_ =	sdelay $0x1  }
0x26: {  	s31 =	sadd.s32 $0xFFFFFFFF, s10;
	s14 =	sxor.u32 @!p1 $0xFFFFFFFF, s10;
	s12 =	ssub.s32 @!p1 s12, s13  }
0x27: {  	s15 =	simm.s32 @!p1 $0x80;
	s14 =	sshll.u32 @!p1 s14, $0xD;
	s12 =	sshll.u32 @!p1 s12, $0x4  }
0x28: {  	s13 =	sand.u32 @!p1 $0x2000, s14;
	s14 =	simm.s32 @!p1 $0x40;
	s12 =	sadd.s32 @!p1 s4, s12  }
0x29: {  	[tilespmem:s13], [sflag:$0x1] =	stream.strided.gather @!p1 [hbm4b:s12+s14], $0x2000, s15, s14, $0x38;
	[tilespmem:$0x8080] =	vst v63  }
0x2a: {  	p1 =	sge.u32 s31, s6  }
.Ltmp2:
0x2b: {  	_ = 	snop;
	(pc) =	sbr.rel @p1 .LBB1_5-.Ltmp2, $1  }
0x2c: {  	_ =	sdelay $0x3  }
0x2d: {  	s12 =	simm.s32 $0x1  }
0x2e: {  	_ =	swait.ge [sflag:s5], $0x2000;
	s12 =	simm.s32 @!p0 $0x0  }
0x2f: {  	[sflag:s5] =	ssyncset.done $0x0;
	s13 =	sshll.u32 s12, $0xD  }
0x30: {  	[sflag:s5] =	ssyncadd.s32 $0xFFFFE000;
	s16 =	sor.u32 $0x20, s13  }
0x31: {  	s12 =	smul.u32 $0x8100, s12;
	v3 =	vld [tilespmem:s16+$0x10]  }
0x32: {  	s30 =	sand.u32 $0x1, s10;
	v2 =	vld [tilespmem:s16+$0xFFFFFFF0]  }
0x33: {  	s13 =	smul.u32 $0x8100, s30;
	s12 =	sshrl.u32 s12, $0x2;
	v0 =	vld [tilespmem:s16+$0x0]  }
0x34: {  	v1 =	vld [tilespmem:s16+$0xFFFFFFE0];
	s14 =	sor.u32 $0x4000, s12  }
0x35: {  	s31 =	sshrl.u32 s13, $0x2;
	s13 =	sadd.s32 $0x0, s14  }
0x36: {  	s15 =	simm.s32 $0x4;
	s16 =	sadd.s32 $0x40, s16;
	s12 =	sor.u32 $0x4000, s31;
	[tilespmem:s13+$0x1830 ss:$0x81] =	vst.msk $0xffff, v3  }
.LBB1_3:
0x37: {  	v3 =	vld [tilespmem:s16+$0x10];
	p1 =	sne.s32 s15, $0x1FC;
	[tilespmem:s13+$0x810 ss:$0x81] =	vst.msk $0xffff, v2;
	s17 =	smov.u32 s15;
	s15 =	sadd.s32 $0x4, s15  }
.Ltmp3:
0x38: {  	v2 =	vld [tilespmem:s16+$0xFFFFFFF0];
	[tilespmem:s13+$0x1020 ss:$0x81] =	vst.msk $0xffff, v0;
	(pc) =	sbr.rel @p1 .LBB1_3-.Ltmp3, $4  }
0x39: {  	v0 =	vld [tilespmem:s16+$0x0];
	[tilespmem:s13+$0x0 ss:$0x81] =	vst.msk $0xffff, v1  }
0x3a: {  	s13 =	sshra.s32 s17, $0x2;
	v1 =	vld [tilespmem:s16+$0xFFFFFFE0]  }
0x3b: {  	s13 =	sadd.s32 s13, s14  }
0x3c: {  	s16 =	sadd.s32 $0x40, s16;
	[tilespmem:s13+$0x1830 ss:$0x81] =	vst.msk $0xffff, v3  }
.Ltmp4:
0x3d: {  	_ = 	snop;
	(pc) =	sbr.rel .LBB1_4-.Ltmp4, $1  }
0x3e: {  	_ =	sdelay $0x3  }
.LBB1_6:
0x3f: {  	_ =	sfence.sel $0x180000  }
0x40: {  	s2 =	simm.s32 $0x1;
	[bflag:$0x0] =	sbarrier.arrive $0xFFFF  }
0x41: {  	s31 =	simm.s32 $0x2;
	[sflag:s2] =	ssyncpa.u1 $0x1  }
0x42: {  	[sflag:s31] =	ssyncpa.u1 $0x1  }
0x43: {  	p0 =	sne.s32 s0, $0x0;
	_ =	strace $0x9000004A  }
0x44: {  	s0 =	sadd.s32 @!p0 $0x100000, s1;
	[bflag:$0x2] =	sbarrier.arrive $0xFFFF  }
0x45: {  	[sflag:s0] =	ssyncadd.tile.s32 @!p0 $0x1;
	_ =	shalt  }
.Lfunc_end1:
_tile_overlayer_lowered:
.L_overlay_start_2:
0x46: {  	(tag) =	ssettag $0x2  }
0x47: {  	s0 =	rddreg [dreg:$0x0];
	s2 =	stileid.u32  }
0x48: {  	s1 =	rddreg [dreg:$0x1];
	p0 =	sne.s32 s2, $0x0  }
0x49: {  	s3 =	rddreg [dreg:$0x2];
	[bflag:$0x3] =	sbarrier.arrive $0xFFFF;
	s2 =	simm.s32 @!p0 $0x1C01  }
0x4a: {  	[timem:s3], [sflag:s2] =	dma.local @!p0 [hbm:s0], s1  }
0x4b: {  	s0 =	simm.s32 @!p0 $0x1  }
0x4c: {  	_ =	swait.ge @!p0 [sflag:s0], s1  }
0x4d: {  	s1 =	ssub.s32 @!p0 $0x0, s1;
	[sflag:s0] =	ssyncset.done @!p0 $0x0  }
0x4e: {  	[sflag:s0] =	ssyncadd.s32 @!p0 s1  }
0x4f: {  	[bflag:$0x3] =	sbarrier.arrive $0xFFFF  }
0x50: {  	_ =	shalt  }

</sc_bundles>
